<compile_context>
chip_gen: v7x
topology: tpu7x:2x2x1
jax: 0.10.2.dev20260603
libtpu: 0.0.44.dev20260713+nightly
codegen_flags: <defaults>
</compile_context>

<pallas_src>
import functools

import jax
import jax.numpy as jnp
from jax import lax
from jax.experimental import pallas as pl
from jax.experimental.pallas import tpu as pltpu
from jax.experimental.pallas import tpu_sc as plsc

_CHUNK = 512
_LANES = 16


def _take(v, idx):
    return lax.gather(
        v, idx[:, None],
        dimension_numbers=lax.GatherDimensionNumbers(
            offset_dims=(), collapsed_slice_dims=(0,), start_index_map=(0,)),
        slice_sizes=(1,),
        mode=lax.GatherScatterMode.PROMISE_IN_BOUNDS)


def _sc_weight_kernel(c0_hbm, c1_hbm, len_hbm, w_hbm, c0_ref, c1_ref, s_ref,
                      w_ref, len_ref, *, B, L):
    nc = 2
    wid = lax.axis_index("s") * nc + lax.axis_index("c")
    lane = lax.iota(jnp.int32, _LANES)
    lane15 = jnp.full((_LANES,), 15, jnp.int32)
    lane0i = jnp.zeros((_LANES,), jnp.int32)
    n_chunks = L // _LANES

    @pl.when(wid < B)
    def _():
        b = wid
        pltpu.sync_copy(c0_hbm.at[b], c0_ref)
        pltpu.sync_copy(c1_hbm.at[b], c1_ref)
        pltpu.sync_copy(len_hbm.at[b], len_ref)
        length = len_ref[...]

        def shifted_in(v, prev_last):
            sh = _take(v, jnp.maximum(lane - 1, 0))
            return jnp.where(lane == 0, prev_last, sh)

        def fwd(i, carry):
            s_carry, p0, p1, gcnt, pos = carry
            base = i * _LANES
            c0v = c0_ref[pl.ds(base, _LANES)]
            c1v = c1_ref[pl.ds(base, _LANES)]
            diff = (c0v != shifted_in(c0v, p0)) | (c1v != shifted_in(c1v, p1))
            valid = pos < length
            ng = ((pos == 0) | diff) & valid
            gcnt = gcnt + jnp.where(ng, jnp.int32(1), jnp.int32(0))
            s = jnp.where(ng, pos, -1)
            for sh in (1, 2, 4, 8):
                s = jnp.maximum(s, _take(s, jnp.maximum(lane - sh, 0)))
            s = jnp.maximum(s, s_carry)
            s_ref[pl.ds(base, _LANES)] = s
            return (_take(s, lane15), _take(c0v, lane15), _take(c1v, lane15),
                    gcnt, pos + _LANES)

        init = (jnp.full((_LANES,), -1, jnp.int32),
                jnp.full((_LANES,), -1, jnp.int32),
                jnp.full((_LANES,), -1, jnp.int32),
                jnp.zeros((_LANES,), jnp.int32),
                lane)
        _, _, _, gcnt, _ = lax.fori_loop(0, n_chunks, fwd, init)
        for sh in (1, 2, 4, 8):
            rot = lane + sh
            rot = jnp.where(rot > 15, rot - _LANES, rot)
            gcnt = gcnt + _take(gcnt, rot)
        g_f = gcnt.astype(jnp.float32)

        def bwd(j, carry):
            nb_carry, pos = carry
            i = n_chunks - 1 - j
            base = i * _LANES
            c0v = c0_ref[pl.ds(base, _LANES)]
            c1v = c1_ref[pl.ds(base, _LANES)]
            pbase = jnp.maximum(base - _LANES, 0)
            p0 = _take(c0_ref[pl.ds(pbase, _LANES)], lane15)
            p1 = _take(c1_ref[pl.ds(pbase, _LANES)], lane15)
            diff = (c0v != shifted_in(c0v, p0)) | (c1v != shifted_in(c1v, p1))
            valid = pos < length
            ng = ((pos == 0) | diff) & valid
            sfx = jnp.where(ng, pos, L)
            for sh in (1, 2, 4, 8):
                sfx = jnp.minimum(sfx, _take(sfx, jnp.minimum(lane + sh, 15)))
            sfx_ex = jnp.where(lane == 15, nb_carry,
                               _take(sfx, jnp.minimum(lane + 1, 15)))
            nb = jnp.minimum(sfx_ex, nb_carry)
            s = s_ref[pl.ds(base, _LANES)]
            run_len = (jnp.minimum(nb, length) - s).astype(jnp.float32)
            denom = g_f * run_len
            safe = valid & (denom > 0.0)
            w = jnp.where(safe, 1.0 / jnp.where(safe, denom, 1.0), 0.0)
            w_ref[pl.ds(base, _LANES)] = w
            return (_take(jnp.minimum(sfx, nb), lane0i), pos - _LANES)

        lax.fori_loop(0, n_chunks, bwd,
                      (jnp.full((_LANES,), L, jnp.int32),
                       (n_chunks - 1) * _LANES + lane))
        pltpu.sync_copy(w_ref, w_hbm.at[b])


def _sc_weights(c0, c1, lengths_b, B, L):
    mesh = plsc.VectorSubcoreMesh(core_axis_name="c", subcore_axis_name="s")
    return pl.kernel(
        functools.partial(_sc_weight_kernel, B=B, L=L),
        out_type=jax.ShapeDtypeStruct((B, L), jnp.float32),
        mesh=mesh,
        scratch_types=[
            pltpu.VMEM((L,), jnp.int32),
            pltpu.VMEM((L,), jnp.int32),
            pltpu.VMEM((L,), jnp.int32),
            pltpu.VMEM((L,), jnp.float32),
            pltpu.VMEM((_LANES,), jnp.int32),
        ],
    )(c0, c1, lengths_b)


def _pool_kernel(len_ref, w_in, feat_hbm, out_ref, b_of, c_of, *,
                 B, N, L, D, chunk):
    def n_chunks(b):
        return (len_ref[b] + chunk - 1) // chunk

    total = n_chunks(0)
    for i in range(1, B):
        total = total + n_chunks(i)

    def build(j, carry):
        b, c = carry
        b_of[j] = b
        c_of[j] = c
        last = (c + 1) == n_chunks(b)
        return (jnp.where(last, b + 1, b), jnp.where(last, 0, c + 1))

    jax.lax.fori_loop(0, total, build, (jnp.int32(0), jnp.int32(0)))

    def inner(idxs, feat_chunk):
        j = idxs[0]

        @pl.when(j == 0)
        def _():
            out_ref[...] = jnp.zeros_like(out_ref)

        b = b_of[j]
        c = c_of[j]
        w_chunk = w_in[pl.ds(b, 1), pl.ds(c * chunk, chunk)]
        out_ref[pl.ds(b, 1), 0] += jnp.dot(w_chunk, feat_chunk[0, 0],
                                           preferred_element_type=jnp.float32)

    pipe = pltpu.emit_pipeline(
        inner,
        grid=(total,),
        in_specs=[pl.BlockSpec((1, 1, chunk, D),
                               lambda j: (b_of[j], N - 1, c_of[j], 0),
                               pipeline_mode=pl.Buffered(buffer_count=4))],
        _explicit_indices=True,
    )
    pipe(feat_hbm)


@jax.jit
def kernel(input_feature, input_lengths, vq_indices):
    B, N, L, D = input_feature.shape
    lengths = input_lengths.astype(jnp.int32)
    vq_t = jnp.transpose(vq_indices.astype(jnp.int32), (0, 2, 1))
    c0 = vq_t[:, 0, :]
    c1 = vq_t[:, 1, :]
    lengths_b = jnp.tile(lengths[:, None], (1, _LANES))

    w = _sc_weights(c0, c1, lengths_b, B, L)

    max_steps = B * (L // _CHUNK)
    grid_spec = pltpu.PrefetchScalarGridSpec(
        num_scalar_prefetch=1,
        grid=(1,),
        in_specs=[
            pl.BlockSpec((B, L), lambda g, lens: (0, 0)),
            pl.BlockSpec(memory_space=pl.ANY),
        ],
        out_specs=pl.BlockSpec((B, 1, D), lambda g, lens: (0, 0, 0)),
        scratch_shapes=[
            pltpu.SMEM((max_steps,), jnp.int32),
            pltpu.SMEM((max_steps,), jnp.int32),
        ],
    )
    out = pl.pallas_call(
        functools.partial(_pool_kernel, B=B, N=N, L=L, D=D, chunk=_CHUNK),
        grid_spec=grid_spec,
        out_shape=jax.ShapeDtypeStruct((B, 1, D), jnp.float32),
    )(lengths, w, input_feature)
    return out[:, 0, :]

# --- scband reference (transcript-rebuilt; emitter-appended) ---
"""Pipeline reference for scband-vqweighted-avg-pool-17265768530685 (READ-ONLY COPY).

The authoritative reference and input builder live on the scoring server;
editing this copy changes nothing except your own understanding.
"""

import jax, jax.numpy as jnp
import numpy as np


def setup_inputs(seed: int = 0) -> dict:
    key = jax.random.key(seed)
    k1, k2, k3 = jax.random.split(key, 3)
    input_feature = jax.random.normal(k1, (8, 4, 2048, 1024), dtype=jnp.float32)
    input_lengths = jax.random.randint(k2, (8,), 1, 2048)
    vq_indices = jax.random.randint(k3, (8, 2048, 2), 0, 320)
    return {
        "input_feature": input_feature,
        "input_lengths": input_lengths,
        "vq_indices": vq_indices,
    }


def _weights(vq_indices, input_lengths, L, dtype):
    # Run-length grouping of consecutive equal (code0, code1) pairs per batch row,
    # restricted to the first input_length tokens (eq_key='exact' -> tuple equality).
    B = vq_indices.shape[0]
    pos = jnp.arange(L)[None, :]
    valid = pos < input_lengths[:, None]                      # [B, L]
    same = jnp.all(vq_indices[:, 1:, :] == vq_indices[:, :-1, :], axis=-1)  # [B, L-1]
    new_group = jnp.concatenate([jnp.ones((B, 1), dtype=bool), ~same], axis=1)
    new_group = new_group & valid
    gid = jnp.cumsum(new_group.astype(jnp.int32), axis=1) - 1  # [B, L]
    gid_c = jnp.clip(gid, 0, L - 1)
    vf = valid.astype(dtype)
    run_len = jax.vmap(lambda g, v: jax.ops.segment_sum(v, g, num_segments=L))(gid_c, vf)  # [B, L]
    num_groups = jnp.max(jnp.where(valid, gid, -1), axis=1) + 1  # [B]
    token_run = jnp.take_along_axis(run_len, gid_c, axis=1)      # [B, L]
    denom = num_groups[:, None].astype(dtype) * token_run
    safe = valid & (denom > 0)
    w = jnp.where(safe, 1.0 / jnp.where(denom > 0, denom, 1.0), 0.0)
    return w


def reference(input_feature, input_lengths, vq_indices):
    # input_feature: [B, N, L, D]; only last layer is used.
    feat = input_feature[:, -1]                               # [B, L, D]
    B, L, D = feat.shape
    w = _weights(vq_indices, input_lengths, L, feat.dtype)    # [B, L]
    out = jnp.sum(feat * w[:, :, None], axis=1)               # [B, D]
    return out

if __name__ == "__main__":
    import jax
    _d = setup_inputs()
    print(jax.jit(kernel)(*tuple(_d.values())))

</pallas_src>

<mosaic_0001>
#map = affine_map<(d0, d1) -> (0, 0)>
module attributes {stable_mosaic.version = 14 : i64} {
  func.func @_sc_weight_kernel(%arg0: i32, %arg1: i32, %arg2: memref<8x2048xi32, #tpu.memory_space<hbm>>, %arg3: memref<8x2048xi32, #tpu.memory_space<hbm>>, %arg4: memref<8x16xi32, #tpu.memory_space<hbm>>, %arg5: memref<8x2048xf32, #tpu.memory_space<hbm>>, %arg6: memref<2048xi32, #tpu.memory_space<vmem>>, %arg7: memref<2048xi32, #tpu.memory_space<vmem>>, %arg8: memref<2048xi32, #tpu.memory_space<vmem>>, %arg9: memref<2048xf32, #tpu.memory_space<vmem>>, %arg10: memref<16xi32, #tpu.memory_space<vmem>>) attributes {dimension_semantics = [#tpu.dimension_semantics<core_parallel>, #tpu.dimension_semantics<subcore_parallel>], iteration_bounds = array<i64: 2, 16>, scalar_prefetch = 0 : i64, scratch_operands = 5 : i64, tpu.core_type = #tpu.core_type<sc_vector_subcore>, window_params = [{transform_indices = #map}, {transform_indices = #map}, {transform_indices = #map}, {transform_indices = #map}]} {
    %mul3A = arith.constant 2 : i32
    %mul3A_0 = arith.muli %arg1, %mul3A : i32
    %add3A = arith.addi %mul3A_0, %arg0 : i32
    %iota3A = tpu.iota {dimensions = array<i32: 0>} : vector<16xi32>
    %broadcast_in_dim3A = arith.constant 15 : i32
    %broadcast_in_dim3A_1 = vector.broadcast %broadcast_in_dim3A : i32 to vector<16xi32>
    %broadcast_in_dim3A_2 = arith.constant 0 : i32
    %broadcast_in_dim3A_3 = vector.broadcast %broadcast_in_dim3A_2 : i32 to vector<16xi32>
    %lt3A = arith.constant 8 : i32
    %lt3A_4 = arith.cmpi slt, %add3A, %lt3A : i32
    %convert_element_type3A = arith.extui %lt3A_4 : i1 to i32
    %cond3A = arith.constant 0 : i32
    %cond3A_5 = arith.cmpi ne, %convert_element_type3A, %cond3A : i32
    scf.if %cond3A_5 {
      "tpu.region"() ({
        %run_scoped3A = tpu.sem_alloc : memref<!tpu.dma_semaphore, #tpu.memory_space<semaphore_mem>>
        %dma_start3A = arith.constant 0 : i32
        %dma_start3A_85 = tpu.memref_slice %arg2[%add3A, %dma_start3A] : memref<8x2048xi32, #tpu.memory_space<hbm>> -> memref<1x2048xi32, #tpu.memory_space<hbm>>
        %dma_start3A_86 = tpu.memref_squeeze %dma_start3A_85 : memref<1x2048xi32, #tpu.memory_space<hbm>> -> memref<2048xi32, #tpu.memory_space<hbm>>
        %dma_start3A_87 = arith.constant 0 : i32
        %dma_start3A_88 = tpu.memref_slice %arg2[%add3A, %dma_start3A_87] : memref<8x2048xi32, #tpu.memory_space<hbm>> -> memref<1x2048xi32, #tpu.memory_space<hbm>>
        %dma_start3A_89 = tpu.memref_squeeze %dma_start3A_88 : memref<1x2048xi32, #tpu.memory_space<hbm>> -> memref<2048xi32, #tpu.memory_space<hbm>>
        tpu.enqueue_dma source(%dma_start3A_89 : memref<2048xi32, #tpu.memory_space<hbm>>) target(%arg6 : memref<2048xi32, #tpu.memory_space<vmem>>) target_semaphore(%run_scoped3A : memref<!tpu.dma_semaphore, #tpu.memory_space<semaphore_mem>>)
        %dma_wait3A = arith.constant 0 : i32
        %dma_wait3A_90 = tpu.memref_slice %arg2[%add3A, %dma_wait3A] : memref<8x2048xi32, #tpu.memory_space<hbm>> -> memref<1x2048xi32, #tpu.memory_space<hbm>>
        %dma_wait3A_91 = tpu.memref_squeeze %dma_wait3A_90 : memref<1x2048xi32, #tpu.memory_space<hbm>> -> memref<2048xi32, #tpu.memory_space<hbm>>
        %dma_wait3A_92 = arith.constant 0 : i32
        %dma_wait3A_93 = tpu.memref_slice %arg2[%add3A, %dma_wait3A_92] : memref<8x2048xi32, #tpu.memory_space<hbm>> -> memref<1x2048xi32, #tpu.memory_space<hbm>>
        %dma_wait3A_94 = tpu.memref_squeeze %dma_wait3A_93 : memref<1x2048xi32, #tpu.memory_space<hbm>> -> memref<2048xi32, #tpu.memory_space<hbm>>
        tpu.wait_dma2 semaphore(%run_scoped3A : memref<!tpu.dma_semaphore, #tpu.memory_space<semaphore_mem>>) src(%dma_wait3A_94 : memref<2048xi32, #tpu.memory_space<hbm>>) dst(%arg6 : memref<2048xi32, #tpu.memory_space<vmem>>)
        tpu.yield
      }) : () -> ()
      "tpu.region"() ({
        %run_scoped3A = tpu.sem_alloc : memref<!tpu.dma_semaphore, #tpu.memory_space<semaphore_mem>>
        %dma_start3A = arith.constant 0 : i32
        %dma_start3A_85 = tpu.memref_slice %arg3[%add3A, %dma_start3A] : memref<8x2048xi32, #tpu.memory_space<hbm>> -> memref<1x2048xi32, #tpu.memory_space<hbm>>
        %dma_start3A_86 = tpu.memref_squeeze %dma_start3A_85 : memref<1x2048xi32, #tpu.memory_space<hbm>> -> memref<2048xi32, #tpu.memory_space<hbm>>
        %dma_start3A_87 = arith.constant 0 : i32
        %dma_start3A_88 = tpu.memref_slice %arg3[%add3A, %dma_start3A_87] : memref<8x2048xi32, #tpu.memory_space<hbm>> -> memref<1x2048xi32, #tpu.memory_space<hbm>>
        %dma_start3A_89 = tpu.memref_squeeze %dma_start3A_88 : memref<1x2048xi32, #tpu.memory_space<hbm>> -> memref<2048xi32, #tpu.memory_space<hbm>>
        tpu.enqueue_dma source(%dma_start3A_89 : memref<2048xi32, #tpu.memory_space<hbm>>) target(%arg7 : memref<2048xi32, #tpu.memory_space<vmem>>) target_semaphore(%run_scoped3A : memref<!tpu.dma_semaphore, #tpu.memory_space<semaphore_mem>>)
        %dma_wait3A = arith.constant 0 : i32
        %dma_wait3A_90 = tpu.memref_slice %arg3[%add3A, %dma_wait3A] : memref<8x2048xi32, #tpu.memory_space<hbm>> -> memref<1x2048xi32, #tpu.memory_space<hbm>>
        %dma_wait3A_91 = tpu.memref_squeeze %dma_wait3A_90 : memref<1x2048xi32, #tpu.memory_space<hbm>> -> memref<2048xi32, #tpu.memory_space<hbm>>
        %dma_wait3A_92 = arith.constant 0 : i32
        %dma_wait3A_93 = tpu.memref_slice %arg3[%add3A, %dma_wait3A_92] : memref<8x2048xi32, #tpu.memory_space<hbm>> -> memref<1x2048xi32, #tpu.memory_space<hbm>>
        %dma_wait3A_94 = tpu.memref_squeeze %dma_wait3A_93 : memref<1x2048xi32, #tpu.memory_space<hbm>> -> memref<2048xi32, #tpu.memory_space<hbm>>
        tpu.wait_dma2 semaphore(%run_scoped3A : memref<!tpu.dma_semaphore, #tpu.memory_space<semaphore_mem>>) src(%dma_wait3A_94 : memref<2048xi32, #tpu.memory_space<hbm>>) dst(%arg7 : memref<2048xi32, #tpu.memory_space<vmem>>)
        tpu.yield
      }) : () -> ()
      "tpu.region"() ({
        %run_scoped3A = tpu.sem_alloc : memref<!tpu.dma_semaphore, #tpu.memory_space<semaphore_mem>>
        %dma_start3A = arith.constant 0 : i32
        %dma_start3A_85 = tpu.memref_slice %arg4[%add3A, %dma_start3A] : memref<8x16xi32, #tpu.memory_space<hbm>> -> memref<1x16xi32, #tpu.memory_space<hbm>>
        %dma_start3A_86 = tpu.memref_squeeze %dma_start3A_85 : memref<1x16xi32, #tpu.memory_space<hbm>> -> memref<16xi32, #tpu.memory_space<hbm>>
        %dma_start3A_87 = arith.constant 0 : i32
        %dma_start3A_88 = tpu.memref_slice %arg4[%add3A, %dma_start3A_87] : memref<8x16xi32, #tpu.memory_space<hbm>> -> memref<1x16xi32, #tpu.memory_space<hbm>>
        %dma_start3A_89 = tpu.memref_squeeze %dma_start3A_88 : memref<1x16xi32, #tpu.memory_space<hbm>> -> memref<16xi32, #tpu.memory_space<hbm>>
        tpu.enqueue_dma source(%dma_start3A_89 : memref<16xi32, #tpu.memory_space<hbm>>) target(%arg10 : memref<16xi32, #tpu.memory_space<vmem>>) target_semaphore(%run_scoped3A : memref<!tpu.dma_semaphore, #tpu.memory_space<semaphore_mem>>)
        %dma_wait3A = arith.constant 0 : i32
        %dma_wait3A_90 = tpu.memref_slice %arg4[%add3A, %dma_wait3A] : memref<8x16xi32, #tpu.memory_space<hbm>> -> memref<1x16xi32, #tpu.memory_space<hbm>>
        %dma_wait3A_91 = tpu.memref_squeeze %dma_wait3A_90 : memref<1x16xi32, #tpu.memory_space<hbm>> -> memref<16xi32, #tpu.memory_space<hbm>>
        %dma_wait3A_92 = arith.constant 0 : i32
        %dma_wait3A_93 = tpu.memref_slice %arg4[%add3A, %dma_wait3A_92] : memref<8x16xi32, #tpu.memory_space<hbm>> -> memref<1x16xi32, #tpu.memory_space<hbm>>
        %dma_wait3A_94 = tpu.memref_squeeze %dma_wait3A_93 : memref<1x16xi32, #tpu.memory_space<hbm>> -> memref<16xi32, #tpu.memory_space<hbm>>
        tpu.wait_dma2 semaphore(%run_scoped3A : memref<!tpu.dma_semaphore, #tpu.memory_space<semaphore_mem>>) src(%dma_wait3A_94 : memref<16xi32, #tpu.memory_space<hbm>>) dst(%arg10 : memref<16xi32, #tpu.memory_space<vmem>>)
        tpu.yield
      }) : () -> ()
      %get3A = arith.constant 0 : index
      %get3A_6 = tpu.vector_load %arg10[%get3A] {strides = array<i32>} : memref<16xi32, #tpu.memory_space<vmem>>, vector<16xi32>,
      %get3A_7 = vector.shape_cast %get3A_6 : vector<16xi32> to vector<16xi32>
      %broadcast_in_dim3A_8 = arith.constant -1 : i32
      %broadcast_in_dim3A_9 = vector.broadcast %broadcast_in_dim3A_8 : i32 to vector<16xi32>
      %broadcast_in_dim3A_10 = arith.constant -1 : i32
      %broadcast_in_dim3A_11 = vector.broadcast %broadcast_in_dim3A_10 : i32 to vector<16xi32>
      %broadcast_in_dim3A_12 = arith.constant -1 : i32
      %broadcast_in_dim3A_13 = vector.broadcast %broadcast_in_dim3A_12 : i32 to vector<16xi32>
      %broadcast_in_dim3A_14 = arith.constant 0 : i32
      %broadcast_in_dim3A_15 = vector.broadcast %broadcast_in_dim3A_14 : i32 to vector<16xi32>
      %scan3A = arith.constant 0 : i32
      %scan3A_16 = arith.constant 128 : i32
      %scan3A_17 = arith.addi %scan3A, %scan3A_16 : i32
      %scan3A_18 = arith.constant 1 : i32
      %scan3A_19:5 = scf.for %scan3A_85 = %scan3A to %scan3A_17 step %scan3A_18 iter_args(%scan3A_86 = %broadcast_in_dim3A_9, %scan3A_87 = %broadcast_in_dim3A_11, %scan3A_88 = %broadcast_in_dim3A_13, %scan3A_89 = %broadcast_in_dim3A_15, %scan3A_90 = %iota3A) -> (vector<16xi32>, vector<16xi32>, vector<16xi32>, vector<16xi32>, vector<16xi32>)  : i32 {
        %mul3A_91 = arith.constant 16 : i32
        %mul3A_92 = arith.muli %scan3A_85, %mul3A_91 : i32
        %get3A_93 = arith.index_cast %mul3A_92 : i32 to index
        %get3A_94 = tpu.vector_load %arg6[%get3A_93] {strides = array<i32>} : memref<2048xi32, #tpu.memory_space<vmem>>, vector<16xi32>,
        %get3A_95 = vector.shape_cast %get3A_94 : vector<16xi32> to vector<16xi32>
        %get3A_96 = arith.index_cast %mul3A_92 : i32 to index
        %get3A_97 = tpu.vector_load %arg7[%get3A_96] {strides = array<i32>} : memref<2048xi32, #tpu.memory_space<vmem>>, vector<16xi32>,
        %get3A_98 = vector.shape_cast %get3A_97 : vector<16xi32> to vector<16xi32>
        %sub3A_99 = arith.constant 1 : i32
        %sub3A_100 = vector.broadcast %sub3A_99 : i32 to vector<16xi32>
        %sub3A_101 = arith.subi %iota3A, %sub3A_100 : vector<16xi32>
        %max3A = arith.constant 0 : i32
        %max3A_102 = vector.broadcast %max3A : i32 to vector<16xi32>
        %max3A_103 = arith.maxsi %sub3A_101, %max3A_102 : vector<16xi32>
        %broadcast_in_dim3A_104 = vector.shape_cast %max3A_103 : vector<16xi32> to vector<16x1xi32>
        %gather3A_105 = vector.shape_cast %broadcast_in_dim3A_104 : vector<16x1xi32> to vector<16xi32>
        %gather3A_106 = tpu.dynamic_gather %get3A_95[%gather3A_105] in [0] : vector<16xi32>, vector<16xi32> -> vector<16xi32>
        %eq3A = arith.constant 0 : i32
        %eq3A_107 = vector.broadcast %eq3A : i32 to vector<16xi32>
        %eq3A_108 = arith.cmpi eq, %iota3A, %eq3A_107 : vector<16xi32>
        %select_n3A_109 = arith.select %eq3A_108, %scan3A_87, %gather3A_106 : vector<16xi1>, vector<16xi32>
        %ne3A = arith.cmpi ne, %get3A_95, %select_n3A_109 : vector<16xi32>
        %sub3A_110 = arith.constant 1 : i32
        %sub3A_111 = vector.broadcast %sub3A_110 : i32 to vector<16xi32>
        %sub3A_112 = arith.subi %iota3A, %sub3A_111 : vector<16xi32>
        %max3A_113 = arith.constant 0 : i32
        %max3A_114 = vector.broadcast %max3A_113 : i32 to vector<16xi32>
        %max3A_115 = arith.maxsi %sub3A_112, %max3A_114 : vector<16xi32>
        %broadcast_in_dim3A_116 = vector.shape_cast %max3A_115 : vector<16xi32> to vector<16x1xi32>
        %gather3A_117 = vector.shape_cast %broadcast_in_dim3A_116 : vector<16x1xi32> to vector<16xi32>
        %gather3A_118 = tpu.dynamic_gather %get3A_98[%gather3A_117] in [0] : vector<16xi32>, vector<16xi32> -> vector<16xi32>
        %eq3A_119 = arith.constant 0 : i32
        %eq3A_120 = vector.broadcast %eq3A_119 : i32 to vector<16xi32>
        %eq3A_121 = arith.cmpi eq, %iota3A, %eq3A_120 : vector<16xi32>
        %select_n3A_122 = arith.select %eq3A_121, %scan3A_88, %gather3A_118 : vector<16xi1>, vector<16xi32>
        %ne3A_123 = arith.cmpi ne, %get3A_98, %select_n3A_122 : vector<16xi32>
        %or3A = arith.ori %ne3A, %ne3A_123 : vector<16xi1>
        %lt3A_124 = arith.cmpi slt, %scan3A_90, %get3A_7 : vector<16xi32>
        %eq3A_125 = arith.constant 0 : i32
        %eq3A_126 = vector.broadcast %eq3A_125 : i32 to vector<16xi32>
        %eq3A_127 = arith.cmpi eq, %scan3A_90, %eq3A_126 : vector<16xi32>
        %or3A_128 = arith.ori %eq3A_127, %or3A : vector<16xi1>
        %and3A = arith.andi %or3A_128, %lt3A_124 : vector<16xi1>
        %jit3A = arith.constant 1 : i32
        %jit3A_129 = arith.constant 0 : i32
        %broadcast_in_dim3A_130 = vector.broadcast %jit3A : i32 to vector<16xi32>
        %broadcast_in_dim3A_131 = vector.broadcast %jit3A_129 : i32 to vector<16xi32>
        %select_n3A_132 = arith.select %and3A, %broadcast_in_dim3A_130, %broadcast_in_dim3A_131 : vector<16xi1>, vector<16xi32>
        %add3A_133 = arith.addi %scan3A_89, %select_n3A_132 : vector<16xi32>
        %jit3A_134 = arith.constant -1 : i32
        %broadcast_in_dim3A_135 = vector.broadcast %jit3A_134 : i32 to vector<16xi32>
        %select_n3A_136 = arith.select %and3A, %scan3A_90, %broadcast_in_dim3A_135 : vector<16xi1>, vector<16xi32>
        %sub3A_137 = arith.constant 1 : i32
        %sub3A_138 = vector.broadcast %sub3A_137 : i32 to vector<16xi32>
        %sub3A_139 = arith.subi %iota3A, %sub3A_138 : vector<16xi32>
        %max3A_140 = arith.constant 0 : i32
        %max3A_141 = vector.broadcast %max3A_140 : i32 to vector<16xi32>
        %max3A_142 = arith.maxsi %sub3A_139, %max3A_141 : vector<16xi32>
        %broadcast_in_dim3A_143 = vector.shape_cast %max3A_142 : vector<16xi32> to vector<16x1xi32>
        %gather3A_144 = vector.shape_cast %broadcast_in_dim3A_143 : vector<16x1xi32> to vector<16xi32>
        %gather3A_145 = tpu.dynamic_gather %select_n3A_136[%gather3A_144] in [0] : vector<16xi32>, vector<16xi32> -> vector<16xi32>
        %max3A_146 = arith.maxsi %select_n3A_136, %gather3A_145 : vector<16xi32>
        %sub3A_147 = arith.constant 2 : i32
        %sub3A_148 = vector.broadcast %sub3A_147 : i32 to vector<16xi32>
        %sub3A_149 = arith.subi %iota3A, %sub3A_148 : vector<16xi32>
        %max3A_150 = arith.constant 0 : i32
        %max3A_151 = vector.broadcast %max3A_150 : i32 to vector<16xi32>
        %max3A_152 = arith.maxsi %sub3A_149, %max3A_151 : vector<16xi32>
        %broadcast_in_dim3A_153 = vector.shape_cast %max3A_152 : vector<16xi32> to vector<16x1xi32>
        %gather3A_154 = vector.shape_cast %broadcast_in_dim3A_153 : vector<16x1xi32> to vector<16xi32>
        %gather3A_155 = tpu.dynamic_gather %max3A_146[%gather3A_154] in [0] : vector<16xi32>, vector<16xi32> -> vector<16xi32>
        %max3A_156 = arith.maxsi %max3A_146, %gather3A_155 : vector<16xi32>
        %sub3A_157 = arith.constant 4 : i32
        %sub3A_158 = vector.broadcast %sub3A_157 : i32 to vector<16xi32>
        %sub3A_159 = arith.subi %iota3A, %sub3A_158 : vector<16xi32>
        %max3A_160 = arith.constant 0 : i32
        %max3A_161 = vector.broadcast %max3A_160 : i32 to vector<16xi32>
        %max3A_162 = arith.maxsi %sub3A_159, %max3A_161 : vector<16xi32>
        %broadcast_in_dim3A_163 = vector.shape_cast %max3A_162 : vector<16xi32> to vector<16x1xi32>
        %gather3A_164 = vector.shape_cast %broadcast_in_dim3A_163 : vector<16x1xi32> to vector<16xi32>
        %gather3A_165 = tpu.dynamic_gather %max3A_156[%gather3A_164] in [0] : vector<16xi32>, vector<16xi32> -> vector<16xi32>
        %max3A_166 = arith.maxsi %max3A_156, %gather3A_165 : vector<16xi32>
        %sub3A_167 = arith.constant 8 : i32
        %sub3A_168 = vector.broadcast %sub3A_167 : i32 to vector<16xi32>
        %sub3A_169 = arith.subi %iota3A, %sub3A_168 : vector<16xi32>
        %max3A_170 = arith.constant 0 : i32
        %max3A_171 = vector.broadcast %max3A_170 : i32 to vector<16xi32>
        %max3A_172 = arith.maxsi %sub3A_169, %max3A_171 : vector<16xi32>
        %broadcast_in_dim3A_173 = vector.shape_cast %max3A_172 : vector<16xi32> to vector<16x1xi32>
        %gather3A_174 = vector.shape_cast %broadcast_in_dim3A_173 : vector<16x1xi32> to vector<16xi32>
        %gather3A_175 = tpu.dynamic_gather %max3A_166[%gather3A_174] in [0] : vector<16xi32>, vector<16xi32> -> vector<16xi32>
        %max3A_176 = arith.maxsi %max3A_166, %gather3A_175 : vector<16xi32>
        %max3A_177 = arith.maxsi %max3A_176, %scan3A_86 : vector<16xi32>
        %swap3A = arith.index_cast %mul3A_92 : i32 to index
        %swap3A_178 = tpu.vector_load %arg8[%swap3A] {strides = array<i32>} : memref<2048xi32, #tpu.memory_space<vmem>>, vector<16xi32>,
        %swap3A_179 = vector.shape_cast %swap3A_178 : vector<16xi32> to vector<16xi32>
        %swap3A_180 = vector.shape_cast %max3A_177 : vector<16xi32> to vector<16xi32>
        tpu.vector_store %arg8[%swap3A], %swap3A_180 {strides = array<i32>} : memref<2048xi32, #tpu.memory_space<vmem>>, vector<16xi32>,
        %broadcast_in_dim3A_181 = vector.shape_cast %broadcast_in_dim3A_1 : vector<16xi32> to vector<16x1xi32>
        %gather3A_182 = vector.shape_cast %broadcast_in_dim3A_181 : vector<16x1xi32> to vector<16xi32>
        %gather3A_183 = tpu.dynamic_gather %max3A_177[%gather3A_182] in [0] : vector<16xi32>, vector<16xi32> -> vector<16xi32>
        %broadcast_in_dim3A_184 = vector.shape_cast %broadcast_in_dim3A_1 : vector<16xi32> to vector<16x1xi32>
        %gather3A_185 = vector.shape_cast %broadcast_in_dim3A_184 : vector<16x1xi32> to vector<16xi32>
        %gather3A_186 = tpu.dynamic_gather %get3A_95[%gather3A_185] in [0] : vector<16xi32>, vector<16xi32> -> vector<16xi32>
        %broadcast_in_dim3A_187 = vector.shape_cast %broadcast_in_dim3A_1 : vector<16xi32> to vector<16x1xi32>
        %gather3A_188 = vector.shape_cast %broadcast_in_dim3A_187 : vector<16x1xi32> to vector<16xi32>
        %gather3A_189 = tpu.dynamic_gather %get3A_98[%gather3A_188] in [0] : vector<16xi32>, vector<16xi32> -> vector<16xi32>
        %add3A_190 = arith.constant 16 : i32
        %add3A_191 = vector.broadcast %add3A_190 : i32 to vector<16xi32>
        %add3A_192 = arith.addi %scan3A_90, %add3A_191 : vector<16xi32>
        scf.yield %gather3A_183, %gather3A_186, %gather3A_189, %add3A_133, %add3A_192 : vector<16xi32>, vector<16xi32>, vector<16xi32>, vector<16xi32>, vector<16xi32>
      }
      %scan3A_20 = arith.constant 128 : i32
      %add3A_21 = arith.constant 1 : i32
      %add3A_22 = vector.broadcast %add3A_21 : i32 to vector<16xi32>
      %add3A_23 = arith.addi %iota3A, %add3A_22 : vector<16xi32>
      %gt3A = arith.constant 15 : i32
      %gt3A_24 = vector.broadcast %gt3A : i32 to vector<16xi32>
      %gt3A_25 = arith.cmpi sgt, %add3A_23, %gt3A_24 : vector<16xi32>
      %sub3A = arith.constant 16 : i32
      %sub3A_26 = vector.broadcast %sub3A : i32 to vector<16xi32>
      %sub3A_27 = arith.subi %add3A_23, %sub3A_26 : vector<16xi32>
      %select_n3A = arith.select %gt3A_25, %sub3A_27, %add3A_23 : vector<16xi1>, vector<16xi32>
      %broadcast_in_dim3A_28 = vector.shape_cast %select_n3A : vector<16xi32> to vector<16x1xi32>
      %gather3A = vector.shape_cast %broadcast_in_dim3A_28 : vector<16x1xi32> to vector<16xi32>
      %gather3A_29 = tpu.dynamic_gather %scan3A_19#3[%gather3A] in [0] : vector<16xi32>, vector<16xi32> -> vector<16xi32>
      %add3A_30 = arith.addi %scan3A_19#3, %gather3A_29 : vector<16xi32>
      %add3A_31 = arith.constant 2 : i32
      %add3A_32 = vector.broadcast %add3A_31 : i32 to vector<16xi32>
      %add3A_33 = arith.addi %iota3A, %add3A_32 : vector<16xi32>
      %gt3A_34 = arith.constant 15 : i32
      %gt3A_35 = vector.broadcast %gt3A_34 : i32 to vector<16xi32>
      %gt3A_36 = arith.cmpi sgt, %add3A_33, %gt3A_35 : vector<16xi32>
      %sub3A_37 = arith.constant 16 : i32
      %sub3A_38 = vector.broadcast %sub3A_37 : i32 to vector<16xi32>
      %sub3A_39 = arith.subi %add3A_33, %sub3A_38 : vector<16xi32>
      %select_n3A_40 = arith.select %gt3A_36, %sub3A_39, %add3A_33 : vector<16xi1>, vector<16xi32>
      %broadcast_in_dim3A_41 = vector.shape_cast %select_n3A_40 : vector<16xi32> to vector<16x1xi32>
      %gather3A_42 = vector.shape_cast %broadcast_in_dim3A_41 : vector<16x1xi32> to vector<16xi32>
      %gather3A_43 = tpu.dynamic_gather %add3A_30[%gather3A_42] in [0] : vector<16xi32>, vector<16xi32> -> vector<16xi32>
      %add3A_44 = arith.addi %add3A_30, %gather3A_43 : vector<16xi32>
      %add3A_45 = arith.constant 4 : i32
      %add3A_46 = vector.broadcast %add3A_45 : i32 to vector<16xi32>
      %add3A_47 = arith.addi %iota3A, %add3A_46 : vector<16xi32>
      %gt3A_48 = arith.constant 15 : i32
      %gt3A_49 = vector.broadcast %gt3A_48 : i32 to vector<16xi32>
      %gt3A_50 = arith.cmpi sgt, %add3A_47, %gt3A_49 : vector<16xi32>
      %sub3A_51 = arith.constant 16 : i32
      %sub3A_52 = vector.broadcast %sub3A_51 : i32 to vector<16xi32>
      %sub3A_53 = arith.subi %add3A_47, %sub3A_52 : vector<16xi32>
      %select_n3A_54 = arith.select %gt3A_50, %sub3A_53, %add3A_47 : vector<16xi1>, vector<16xi32>
      %broadcast_in_dim3A_55 = vector.shape_cast %select_n3A_54 : vector<16xi32> to vector<16x1xi32>
      %gather3A_56 = vector.shape_cast %broadcast_in_dim3A_55 : vector<16x1xi32> to vector<16xi32>
      %gather3A_57 = tpu.dynamic_gather %add3A_44[%gather3A_56] in [0] : vector<16xi32>, vector<16xi32> -> vector<16xi32>
      %add3A_58 = arith.addi %add3A_44, %gather3A_57 : vector<16xi32>
      %add3A_59 = arith.constant 8 : i32
      %add3A_60 = vector.broadcast %add3A_59 : i32 to vector<16xi32>
      %add3A_61 = arith.addi %iota3A, %add3A_60 : vector<16xi32>
      %gt3A_62 = arith.constant 15 : i32
      %gt3A_63 = vector.broadcast %gt3A_62 : i32 to vector<16xi32>
      %gt3A_64 = arith.cmpi sgt, %add3A_61, %gt3A_63 : vector<16xi32>
      %sub3A_65 = arith.constant 16 : i32
      %sub3A_66 = vector.broadcast %sub3A_65 : i32 to vector<16xi32>
      %sub3A_67 = arith.subi %add3A_61, %sub3A_66 : vector<16xi32>
      %select_n3A_68 = arith.select %gt3A_64, %sub3A_67, %add3A_61 : vector<16xi1>, vector<16xi32>
      %broadcast_in_dim3A_69 = vector.shape_cast %select_n3A_68 : vector<16xi32> to vector<16x1xi32>
      %gather3A_70 = vector.shape_cast %broadcast_in_dim3A_69 : vector<16x1xi32> to vector<16xi32>
      %gather3A_71 = tpu.dynamic_gather %add3A_58[%gather3A_70] in [0] : vector<16xi32>, vector<16xi32> -> vector<16xi32>
      %add3A_72 = arith.addi %add3A_58, %gather3A_71 : vector<16xi32>
      %convert_element_type3A_73 = arith.sitofp %add3A_72 : vector<16xi32> to vector<16xf32>
      %broadcast_in_dim3A_74 = arith.constant 2048 : i32
      %broadcast_in_dim3A_75 = vector.broadcast %broadcast_in_dim3A_74 : i32 to vector<16xi32>
      %add3A_76 = arith.constant 2032 : i32
      %add3A_77 = vector.broadcast %add3A_76 : i32 to vector<16xi32>
      %add3A_78 = arith.addi %add3A_77, %iota3A : vector<16xi32>
      %scan3A_79 = arith.constant 0 : i32
      %scan3A_80 = arith.constant 128 : i32
      %scan3A_81 = arith.addi %scan3A_79, %scan3A_80 : i32
      %scan3A_82 = arith.constant 1 : i32
      %scan3A_83:2 = scf.for %scan3A_85 = %scan3A_79 to %scan3A_81 step %scan3A_82 iter_args(%scan3A_86 = %broadcast_in_dim3A_75, %scan3A_87 = %add3A_78) -> (vector<16xi32>, vector<16xi32>)  : i32 {
        %sub3A_88 = arith.constant 127 : i32
        %sub3A_89 = arith.subi %sub3A_88, %scan3A_85 : i32
        %mul3A_90 = arith.constant 16 : i32
        %mul3A_91 = arith.muli %sub3A_89, %mul3A_90 : i32
        %get3A_92 = arith.index_cast %mul3A_91 : i32 to index
        %get3A_93 = tpu.vector_load %arg6[%get3A_92] {strides = array<i32>} : memref<2048xi32, #tpu.memory_space<vmem>>, vector<16xi32>,
        %get3A_94 = vector.shape_cast %get3A_93 : vector<16xi32> to vector<16xi32>
        %get3A_95 = arith.index_cast %mul3A_91 : i32 to index
        %get3A_96 = tpu.vector_load %arg7[%get3A_95] {strides = array<i32>} : memref<2048xi32, #tpu.memory_space<vmem>>, vector<16xi32>,
        %get3A_97 = vector.shape_cast %get3A_96 : vector<16xi32> to vector<16xi32>
        %sub3A_98 = arith.constant 16 : i32
        %sub3A_99 = arith.subi %mul3A_91, %sub3A_98 : i32
        %max3A = arith.constant 0 : i32
        %max3A_100 = arith.maxsi %sub3A_99, %max3A : i32
        %get3A_101 = arith.index_cast %max3A_100 : i32 to index
        %get3A_102 = tpu.vector_load %arg6[%get3A_101] {strides = array<i32>} : memref<2048xi32, #tpu.memory_space<vmem>>, vector<16xi32>,
        %get3A_103 = vector.shape_cast %get3A_102 : vector<16xi32> to vector<16xi32>
        %broadcast_in_dim3A_104 = vector.shape_cast %broadcast_in_dim3A_1 : vector<16xi32> to vector<16x1xi32>
        %gather3A_105 = vector.shape_cast %broadcast_in_dim3A_104 : vector<16x1xi32> to vector<16xi32>
        %gather3A_106 = tpu.dynamic_gather %get3A_103[%gather3A_105] in [0] : vector<16xi32>, vector<16xi32> -> vector<16xi32>
        %get3A_107 = arith.index_cast %max3A_100 : i32 to index
        %get3A_108 = tpu.vector_load %arg7[%get3A_107] {strides = array<i32>} : memref<2048xi32, #tpu.memory_space<vmem>>, vector<16xi32>,
        %get3A_109 = vector.shape_cast %get3A_108 : vector<16xi32> to vector<16xi32>
        %broadcast_in_dim3A_110 = vector.shape_cast %broadcast_in_dim3A_1 : vector<16xi32> to vector<16x1xi32>
        %gather3A_111 = vector.shape_cast %broadcast_in_dim3A_110 : vector<16x1xi32> to vector<16xi32>
        %gather3A_112 = tpu.dynamic_gather %get3A_109[%gather3A_111] in [0] : vector<16xi32>, vector<16xi32> -> vector<16xi32>
        %sub3A_113 = arith.constant 1 : i32
        %sub3A_114 = vector.broadcast %sub3A_113 : i32 to vector<16xi32>
        %sub3A_115 = arith.subi %iota3A, %sub3A_114 : vector<16xi32>
        %max3A_116 = arith.constant 0 : i32
        %max3A_117 = vector.broadcast %max3A_116 : i32 to vector<16xi32>
        %max3A_118 = arith.maxsi %sub3A_115, %max3A_117 : vector<16xi32>
        %broadcast_in_dim3A_119 = vector.shape_cast %max3A_118 : vector<16xi32> to vector<16x1xi32>
        %gather3A_120 = vector.shape_cast %broadcast_in_dim3A_119 : vector<16x1xi32> to vector<16xi32>
        %gather3A_121 = tpu.dynamic_gather %get3A_94[%gather3A_120] in [0] : vector<16xi32>, vector<16xi32> -> vector<16xi32>
        %eq3A = arith.constant 0 : i32
        %eq3A_122 = vector.broadcast %eq3A : i32 to vector<16xi32>
        %eq3A_123 = arith.cmpi eq, %iota3A, %eq3A_122 : vector<16xi32>
        %select_n3A_124 = arith.select %eq3A_123, %gather3A_106, %gather3A_121 : vector<16xi1>, vector<16xi32>
        %ne3A = arith.cmpi ne, %get3A_94, %select_n3A_124 : vector<16xi32>
        %sub3A_125 = arith.constant 1 : i32
        %sub3A_126 = vector.broadcast %sub3A_125 : i32 to vector<16xi32>
        %sub3A_127 = arith.subi %iota3A, %sub3A_126 : vector<16xi32>
        %max3A_128 = arith.constant 0 : i32
        %max3A_129 = vector.broadcast %max3A_128 : i32 to vector<16xi32>
        %max3A_130 = arith.maxsi %sub3A_127, %max3A_129 : vector<16xi32>
        %broadcast_in_dim3A_131 = vector.shape_cast %max3A_130 : vector<16xi32> to vector<16x1xi32>
        %gather3A_132 = vector.shape_cast %broadcast_in_dim3A_131 : vector<16x1xi32> to vector<16xi32>
        %gather3A_133 = tpu.dynamic_gather %get3A_97[%gather3A_132] in [0] : vector<16xi32>, vector<16xi32> -> vector<16xi32>
        %eq3A_134 = arith.constant 0 : i32
        %eq3A_135 = vector.broadcast %eq3A_134 : i32 to vector<16xi32>
        %eq3A_136 = arith.cmpi eq, %iota3A, %eq3A_135 : vector<16xi32>
        %select_n3A_137 = arith.select %eq3A_136, %gather3A_112, %gather3A_133 : vector<16xi1>, vector<16xi32>
        %ne3A_138 = arith.cmpi ne, %get3A_97, %select_n3A_137 : vector<16xi32>
        %or3A = arith.ori %ne3A, %ne3A_138 : vector<16xi1>
        %lt3A_139 = arith.cmpi slt, %scan3A_87, %get3A_7 : vector<16xi32>
        %eq3A_140 = arith.constant 0 : i32
        %eq3A_141 = vector.broadcast %eq3A_140 : i32 to vector<16xi32>
        %eq3A_142 = arith.cmpi eq, %scan3A_87, %eq3A_141 : vector<16xi32>
        %or3A_143 = arith.ori %eq3A_142, %or3A : vector<16xi1>
        %and3A = arith.andi %or3A_143, %lt3A_139 : vector<16xi1>
        %jit3A = arith.constant 2048 : i32
        %broadcast_in_dim3A_144 = vector.broadcast %jit3A : i32 to vector<16xi32>
        %select_n3A_145 = arith.select %and3A, %scan3A_87, %broadcast_in_dim3A_144 : vector<16xi1>, vector<16xi32>
        %add3A_146 = arith.constant 1 : i32
        %add3A_147 = vector.broadcast %add3A_146 : i32 to vector<16xi32>
        %add3A_148 = arith.addi %iota3A, %add3A_147 : vector<16xi32>
        %min3A = arith.constant 15 : i32
        %min3A_149 = vector.broadcast %min3A : i32 to vector<16xi32>
        %min3A_150 = arith.minsi %add3A_148, %min3A_149 : vector<16xi32>
        %broadcast_in_dim3A_151 = vector.shape_cast %min3A_150 : vector<16xi32> to vector<16x1xi32>
        %gather3A_152 = vector.shape_cast %broadcast_in_dim3A_151 : vector<16x1xi32> to vector<16xi32>
        %gather3A_153 = tpu.dynamic_gather %select_n3A_145[%gather3A_152] in [0] : vector<16xi32>, vector<16xi32> -> vector<16xi32>
        %min3A_154 = arith.minsi %select_n3A_145, %gather3A_153 : vector<16xi32>
        %add3A_155 = arith.constant 2 : i32
        %add3A_156 = vector.broadcast %add3A_155 : i32 to vector<16xi32>
        %add3A_157 = arith.addi %iota3A, %add3A_156 : vector<16xi32>
        %min3A_158 = arith.constant 15 : i32
        %min3A_159 = vector.broadcast %min3A_158 : i32 to vector<16xi32>
        %min3A_160 = arith.minsi %add3A_157, %min3A_159 : vector<16xi32>
        %broadcast_in_dim3A_161 = vector.shape_cast %min3A_160 : vector<16xi32> to vector<16x1xi32>
        %gather3A_162 = vector.shape_cast %broadcast_in_dim3A_161 : vector<16x1xi32> to vector<16xi32>
        %gather3A_163 = tpu.dynamic_gather %min3A_154[%gather3A_162] in [0] : vector<16xi32>, vector<16xi32> -> vector<16xi32>
        %min3A_164 = arith.minsi %min3A_154, %gather3A_163 : vector<16xi32>
        %add3A_165 = arith.constant 4 : i32
        %add3A_166 = vector.broadcast %add3A_165 : i32 to vector<16xi32>
        %add3A_167 = arith.addi %iota3A, %add3A_166 : vector<16xi32>
        %min3A_168 = arith.constant 15 : i32
        %min3A_169 = vector.broadcast %min3A_168 : i32 to vector<16xi32>
        %min3A_170 = arith.minsi %add3A_167, %min3A_169 : vector<16xi32>
        %broadcast_in_dim3A_171 = vector.shape_cast %min3A_170 : vector<16xi32> to vector<16x1xi32>
        %gather3A_172 = vector.shape_cast %broadcast_in_dim3A_171 : vector<16x1xi32> to vector<16xi32>
        %gather3A_173 = tpu.dynamic_gather %min3A_164[%gather3A_172] in [0] : vector<16xi32>, vector<16xi32> -> vector<16xi32>
        %min3A_174 = arith.minsi %min3A_164, %gather3A_173 : vector<16xi32>
        %add3A_175 = arith.constant 8 : i32
        %add3A_176 = vector.broadcast %add3A_175 : i32 to vector<16xi32>
        %add3A_177 = arith.addi %iota3A, %add3A_176 : vector<16xi32>
        %min3A_178 = arith.constant 15 : i32
        %min3A_179 = vector.broadcast %min3A_178 : i32 to vector<16xi32>
        %min3A_180 = arith.minsi %add3A_177, %min3A_179 : vector<16xi32>
        %broadcast_in_dim3A_181 = vector.shape_cast %min3A_180 : vector<16xi32> to vector<16x1xi32>
        %gather3A_182 = vector.shape_cast %broadcast_in_dim3A_181 : vector<16x1xi32> to vector<16xi32>
        %gather3A_183 = tpu.dynamic_gather %min3A_174[%gather3A_182] in [0] : vector<16xi32>, vector<16xi32> -> vector<16xi32>
        %min3A_184 = arith.minsi %min3A_174, %gather3A_183 : vector<16xi32>
        %eq3A_185 = arith.constant 15 : i32
        %eq3A_186 = vector.broadcast %eq3A_185 : i32 to vector<16xi32>
        %eq3A_187 = arith.cmpi eq, %iota3A, %eq3A_186 : vector<16xi32>
        %add3A_188 = arith.constant 1 : i32
        %add3A_189 = vector.broadcast %add3A_188 : i32 to vector<16xi32>
        %add3A_190 = arith.addi %iota3A, %add3A_189 : vector<16xi32>
        %min3A_191 = arith.constant 15 : i32
        %min3A_192 = vector.broadcast %min3A_191 : i32 to vector<16xi32>
        %min3A_193 = arith.minsi %add3A_190, %min3A_192 : vector<16xi32>
        %broadcast_in_dim3A_194 = vector.shape_cast %min3A_193 : vector<16xi32> to vector<16x1xi32>
        %gather3A_195 = vector.shape_cast %broadcast_in_dim3A_194 : vector<16x1xi32> to vector<16xi32>
        %gather3A_196 = tpu.dynamic_gather %min3A_184[%gather3A_195] in [0] : vector<16xi32>, vector<16xi32> -> vector<16xi32>
        %select_n3A_197 = arith.select %eq3A_187, %scan3A_86, %gather3A_196 : vector<16xi1>, vector<16xi32>
        %min3A_198 = arith.minsi %select_n3A_197, %scan3A_86 : vector<16xi32>
        %get3A_199 = arith.index_cast %mul3A_91 : i32 to index
        %get3A_200 = tpu.vector_load %arg8[%get3A_199] {strides = array<i32>} : memref<2048xi32, #tpu.memory_space<vmem>>, vector<16xi32>,
        %get3A_201 = vector.shape_cast %get3A_200 : vector<16xi32> to vector<16xi32>
        %min3A_202 = arith.minsi %min3A_198, %get3A_7 : vector<16xi32>
        %sub3A_203 = arith.subi %min3A_202, %get3A_201 : vector<16xi32>
        %convert_element_type3A_204 = arith.sitofp %sub3A_203 : vector<16xi32> to vector<16xf32>
        %mul3A_205 = arith.mulf %convert_element_type3A_73, %convert_element_type3A_204 : vector<16xf32>
        %gt3A_206 = arith.constant 0.000000e+00 : f32
        %gt3A_207 = vector.broadcast %gt3A_206 : f32 to vector<16xf32>
        %gt3A_208 = arith.cmpf ogt, %mul3A_205, %gt3A_207 : vector<16xf32>
        %and3A_209 = arith.andi %lt3A_139, %gt3A_208 : vector<16xi1>
        %jit3A_210 = arith.constant 1.000000e+00 : f32
        %broadcast_in_dim3A_211 = vector.broadcast %jit3A_210 : f32 to vector<16xf32>
        %select_n3A_212 = arith.select %and3A_209, %mul3A_205, %broadcast_in_dim3A_211 : vector<16xi1>, vector<16xf32>
        %div3A = arith.constant 1.000000e+00 : f32
        %div3A_213 = vector.broadcast %div3A : f32 to vector<16xf32>
        %div3A_214 = arith.divf %div3A_213, %select_n3A_212 : vector<16xf32>
        %jit3A_215 = arith.constant 0.000000e+00 : f32
        %broadcast_in_dim3A_216 = vector.broadcast %jit3A_215 : f32 to vector<16xf32>
        %select_n3A_217 = arith.select %and3A_209, %div3A_214, %broadcast_in_dim3A_216 : vector<16xi1>, vector<16xf32>
        %swap3A = arith.index_cast %mul3A_91 : i32 to index
        %swap3A_218 = tpu.vector_load %arg9[%swap3A] {strides = array<i32>} : memref<2048xf32, #tpu.memory_space<vmem>>, vector<16xf32>,
        %swap3A_219 = vector.shape_cast %swap3A_218 : vector<16xf32> to vector<16xf32>
        %swap3A_220 = vector.shape_cast %select_n3A_217 : vector<16xf32> to vector<16xf32>
        tpu.vector_store %arg9[%swap3A], %swap3A_220 {strides = array<i32>} : memref<2048xf32, #tpu.memory_space<vmem>>, vector<16xf32>,
        %min3A_221 = arith.minsi %min3A_184, %min3A_198 : vector<16xi32>
        %broadcast_in_dim3A_222 = vector.shape_cast %broadcast_in_dim3A_3 : vector<16xi32> to vector<16x1xi32>
        %gather3A_223 = vector.shape_cast %broadcast_in_dim3A_222 : vector<16x1xi32> to vector<16xi32>
        %gather3A_224 = tpu.dynamic_gather %min3A_221[%gather3A_223] in [0] : vector<16xi32>, vector<16xi32> -> vector<16xi32>
        %sub3A_225 = arith.constant 16 : i32
        %sub3A_226 = vector.broadcast %sub3A_225 : i32 to vector<16xi32>
        %sub3A_227 = arith.subi %scan3A_87, %sub3A_226 : vector<16xi32>
        scf.yield %gather3A_224, %sub3A_227 : vector<16xi32>, vector<16xi32>
      }
      %scan3A_84 = arith.constant 128 : i32
      "tpu.region"() ({
        %run_scoped3A = tpu.sem_alloc : memref<!tpu.dma_semaphore, #tpu.memory_space<semaphore_mem>>
        %dma_start3A = arith.constant 0 : i32
        %dma_start3A_85 = tpu.memref_slice %arg5[%add3A, %dma_start3A] : memref<8x2048xf32, #tpu.memory_space<hbm>> -> memref<1x2048xf32, #tpu.memory_space<hbm>>
        %dma_start3A_86 = tpu.memref_squeeze %dma_start3A_85 : memref<1x2048xf32, #tpu.memory_space<hbm>> -> memref<2048xf32, #tpu.memory_space<hbm>>
        %dma_start3A_87 = arith.constant 0 : i32
        %dma_start3A_88 = tpu.memref_slice %arg5[%add3A, %dma_start3A_87] : memref<8x2048xf32, #tpu.memory_space<hbm>> -> memref<1x2048xf32, #tpu.memory_space<hbm>>
        %dma_start3A_89 = tpu.memref_squeeze %dma_start3A_88 : memref<1x2048xf32, #tpu.memory_space<hbm>> -> memref<2048xf32, #tpu.memory_space<hbm>>
        tpu.enqueue_dma source(%arg9 : memref<2048xf32, #tpu.memory_space<vmem>>) target(%dma_start3A_89 : memref<2048xf32, #tpu.memory_space<hbm>>) target_semaphore(%run_scoped3A : memref<!tpu.dma_semaphore, #tpu.memory_space<semaphore_mem>>)
        %dma_wait3A = arith.constant 0 : i32
        %dma_wait3A_90 = tpu.memref_slice %arg5[%add3A, %dma_wait3A] : memref<8x2048xf32, #tpu.memory_space<hbm>> -> memref<1x2048xf32, #tpu.memory_space<hbm>>
        %dma_wait3A_91 = tpu.memref_squeeze %dma_wait3A_90 : memref<1x2048xf32, #tpu.memory_space<hbm>> -> memref<2048xf32, #tpu.memory_space<hbm>>
        %dma_wait3A_92 = arith.constant 0 : i32
        %dma_wait3A_93 = tpu.memref_slice %arg5[%add3A, %dma_wait3A_92] : memref<8x2048xf32, #tpu.memory_space<hbm>> -> memref<1x2048xf32, #tpu.memory_space<hbm>>
        %dma_wait3A_94 = tpu.memref_squeeze %dma_wait3A_93 : memref<1x2048xf32, #tpu.memory_space<hbm>> -> memref<2048xf32, #tpu.memory_space<hbm>>
        tpu.wait_dma2 semaphore(%run_scoped3A : memref<!tpu.dma_semaphore, #tpu.memory_space<semaphore_mem>>) src(%arg9 : memref<2048xf32, #tpu.memory_space<vmem>>) dst(%dma_wait3A_94 : memref<2048xf32, #tpu.memory_space<hbm>>)
        tpu.yield
      }) : () -> ()
    } else {
    }
    return
  }
}

module attributes {stable_mosaic.version = 14 : i64} {
  func.func @_pool_kernel(%arg0: i32, %arg1: memref<8xi32, #tpu.memory_space<smem>>, %arg2: memref<8x2048xf32, #tpu.memory_space<vmem>>, %arg3: memref<8x4x2048x1024xf32, #tpu.memory_space<any>>, %arg4: memref<8x1x1024xf32, #tpu.memory_space<vmem>>, %arg5: memref<32xi32, #tpu.memory_space<smem>>, %arg6: memref<32xi32, #tpu.memory_space<smem>>) attributes {dimension_semantics = [#tpu.dimension_semantics<arbitrary>], iteration_bounds = array<i64: 1>, scalar_prefetch = 1 : i64, scratch_operands = 2 : i64, tpu.core_type = #tpu.core_type<tc>, window_params = [{pipeline_mode = #tpu.pipeline_mode<synchronous>, transform_indices = @transform_0, window_bounds = array<i64: 8, 2048>}, {}, {pipeline_mode = #tpu.pipeline_mode<synchronous>, transform_indices = @transform_2, window_bounds = array<i64: 8, 1, 1024>}]} {
    %get3A = arith.constant 0 : index
    %get3A_0 = memref.load %arg1[%get3A] : memref<8xi32, #tpu.memory_space<smem>>
    %add3A = arith.constant 512 : i32
    %add3A_1 = arith.addi %get3A_0, %add3A : i32
    %sub3A = arith.constant 1 : i32
    %sub3A_2 = arith.subi %add3A_1, %sub3A : i32
    %jit3A = arith.constant 512 : i32
    %div3A = arith.divsi %sub3A_2, %jit3A : i32
    %sign3A = arith.constant 0 : i32
    %sign3A_3 = arith.cmpi sgt, %sub3A_2, %sign3A : i32
    %sign3A_4 = arith.extui %sign3A_3 : i1 to i32
    %sign3A_5 = arith.constant 0 : i32
    %sign3A_6 = arith.cmpi slt, %sub3A_2, %sign3A_5 : i32
    %sign3A_7 = arith.extui %sign3A_6 : i1 to i32
    %sign3A_8 = arith.subi %sign3A_4, %sign3A_7 : i32
    %sign3A_9 = arith.constant 0 : i32
    %sign3A_10 = arith.cmpi sgt, %jit3A, %sign3A_9 : i32
    %sign3A_11 = arith.extui %sign3A_10 : i1 to i32
    %sign3A_12 = arith.constant 0 : i32
    %sign3A_13 = arith.cmpi slt, %jit3A, %sign3A_12 : i32
    %sign3A_14 = arith.extui %sign3A_13 : i1 to i32
    %sign3A_15 = arith.subi %sign3A_11, %sign3A_14 : i32
    %ne3A = arith.cmpi ne, %sign3A_8, %sign3A_15 : i32
    %rem3A = arith.remsi %sub3A_2, %jit3A : i32
    %ne3A_16 = arith.constant 0 : i32
    %ne3A_17 = arith.cmpi ne, %rem3A, %ne3A_16 : i32
    %and3A = arith.andi %ne3A, %ne3A_17 : i1
    %sub3A_18 = arith.constant 1 : i32
    %sub3A_19 = arith.subi %div3A, %sub3A_18 : i32
    %select_n3A = arith.select %and3A, %sub3A_19, %div3A : i32
    %get3A_20 = arith.constant 1 : index
    %get3A_21 = memref.load %arg1[%get3A_20] : memref<8xi32, #tpu.memory_space<smem>>
    %add3A_22 = arith.constant 512 : i32
    %add3A_23 = arith.addi %get3A_21, %add3A_22 : i32
    %sub3A_24 = arith.constant 1 : i32
    %sub3A_25 = arith.subi %add3A_23, %sub3A_24 : i32
    %jit3A_26 = arith.constant 512 : i32
    %div3A_27 = arith.divsi %sub3A_25, %jit3A_26 : i32
    %sign3A_28 = arith.constant 0 : i32
    %sign3A_29 = arith.cmpi sgt, %sub3A_25, %sign3A_28 : i32
    %sign3A_30 = arith.extui %sign3A_29 : i1 to i32
    %sign3A_31 = arith.constant 0 : i32
    %sign3A_32 = arith.cmpi slt, %sub3A_25, %sign3A_31 : i32
    %sign3A_33 = arith.extui %sign3A_32 : i1 to i32
    %sign3A_34 = arith.subi %sign3A_30, %sign3A_33 : i32
    %sign3A_35 = arith.constant 0 : i32
    %sign3A_36 = arith.cmpi sgt, %jit3A_26, %sign3A_35 : i32
    %sign3A_37 = arith.extui %sign3A_36 : i1 to i32
    %sign3A_38 = arith.constant 0 : i32
    %sign3A_39 = arith.cmpi slt, %jit3A_26, %sign3A_38 : i32
    %sign3A_40 = arith.extui %sign3A_39 : i1 to i32
    %sign3A_41 = arith.subi %sign3A_37, %sign3A_40 : i32
    %ne3A_42 = arith.cmpi ne, %sign3A_34, %sign3A_41 : i32
    %rem3A_43 = arith.remsi %sub3A_25, %jit3A_26 : i32
    %ne3A_44 = arith.constant 0 : i32
    %ne3A_45 = arith.cmpi ne, %rem3A_43, %ne3A_44 : i32
    %and3A_46 = arith.andi %ne3A_42, %ne3A_45 : i1
    %sub3A_47 = arith.constant 1 : i32
    %sub3A_48 = arith.subi %div3A_27, %sub3A_47 : i32
    %select_n3A_49 = arith.select %and3A_46, %sub3A_48, %div3A_27 : i32
    %add3A_50 = arith.addi %select_n3A, %select_n3A_49 : i32
    %get3A_51 = arith.constant 2 : index
    %get3A_52 = memref.load %arg1[%get3A_51] : memref<8xi32, #tpu.memory_space<smem>>
    %add3A_53 = arith.constant 512 : i32
    %add3A_54 = arith.addi %get3A_52, %add3A_53 : i32
    %sub3A_55 = arith.constant 1 : i32
    %sub3A_56 = arith.subi %add3A_54, %sub3A_55 : i32
    %jit3A_57 = arith.constant 512 : i32
    %div3A_58 = arith.divsi %sub3A_56, %jit3A_57 : i32
    %sign3A_59 = arith.constant 0 : i32
    %sign3A_60 = arith.cmpi sgt, %sub3A_56, %sign3A_59 : i32
    %sign3A_61 = arith.extui %sign3A_60 : i1 to i32
    %sign3A_62 = arith.constant 0 : i32
    %sign3A_63 = arith.cmpi slt, %sub3A_56, %sign3A_62 : i32
    %sign3A_64 = arith.extui %sign3A_63 : i1 to i32
    %sign3A_65 = arith.subi %sign3A_61, %sign3A_64 : i32
    %sign3A_66 = arith.constant 0 : i32
    %sign3A_67 = arith.cmpi sgt, %jit3A_57, %sign3A_66 : i32
    %sign3A_68 = arith.extui %sign3A_67 : i1 to i32
    %sign3A_69 = arith.constant 0 : i32
    %sign3A_70 = arith.cmpi slt, %jit3A_57, %sign3A_69 : i32
    %sign3A_71 = arith.extui %sign3A_70 : i1 to i32
    %sign3A_72 = arith.subi %sign3A_68, %sign3A_71 : i32
    %ne3A_73 = arith.cmpi ne, %sign3A_65, %sign3A_72 : i32
    %rem3A_74 = arith.remsi %sub3A_56, %jit3A_57 : i32
    %ne3A_75 = arith.constant 0 : i32
    %ne3A_76 = arith.cmpi ne, %rem3A_74, %ne3A_75 : i32
    %and3A_77 = arith.andi %ne3A_73, %ne3A_76 : i1
    %sub3A_78 = arith.constant 1 : i32
    %sub3A_79 = arith.subi %div3A_58, %sub3A_78 : i32
    %select_n3A_80 = arith.select %and3A_77, %sub3A_79, %div3A_58 : i32
    %add3A_81 = arith.addi %add3A_50, %select_n3A_80 : i32
    %get3A_82 = arith.constant 3 : index
    %get3A_83 = memref.load %arg1[%get3A_82] : memref<8xi32, #tpu.memory_space<smem>>
    %add3A_84 = arith.constant 512 : i32
    %add3A_85 = arith.addi %get3A_83, %add3A_84 : i32
    %sub3A_86 = arith.constant 1 : i32
    %sub3A_87 = arith.subi %add3A_85, %sub3A_86 : i32
    %jit3A_88 = arith.constant 512 : i32
    %div3A_89 = arith.divsi %sub3A_87, %jit3A_88 : i32
    %sign3A_90 = arith.constant 0 : i32
    %sign3A_91 = arith.cmpi sgt, %sub3A_87, %sign3A_90 : i32
    %sign3A_92 = arith.extui %sign3A_91 : i1 to i32
    %sign3A_93 = arith.constant 0 : i32
    %sign3A_94 = arith.cmpi slt, %sub3A_87, %sign3A_93 : i32
    %sign3A_95 = arith.extui %sign3A_94 : i1 to i32
    %sign3A_96 = arith.subi %sign3A_92, %sign3A_95 : i32
    %sign3A_97 = arith.constant 0 : i32
    %sign3A_98 = arith.cmpi sgt, %jit3A_88, %sign3A_97 : i32
    %sign3A_99 = arith.extui %sign3A_98 : i1 to i32
    %sign3A_100 = arith.constant 0 : i32
    %sign3A_101 = arith.cmpi slt, %jit3A_88, %sign3A_100 : i32
    %sign3A_102 = arith.extui %sign3A_101 : i1 to i32
    %sign3A_103 = arith.subi %sign3A_99, %sign3A_102 : i32
    %ne3A_104 = arith.cmpi ne, %sign3A_96, %sign3A_103 : i32
    %rem3A_105 = arith.remsi %sub3A_87, %jit3A_88 : i32
    %ne3A_106 = arith.constant 0 : i32
    %ne3A_107 = arith.cmpi ne, %rem3A_105, %ne3A_106 : i32
    %and3A_108 = arith.andi %ne3A_104, %ne3A_107 : i1
    %sub3A_109 = arith.constant 1 : i32
    %sub3A_110 = arith.subi %div3A_89, %sub3A_109 : i32
    %select_n3A_111 = arith.select %and3A_108, %sub3A_110, %div3A_89 : i32
    %add3A_112 = arith.addi %add3A_81, %select_n3A_111 : i32
    %get3A_113 = arith.constant 4 : index
    %get3A_114 = memref.load %arg1[%get3A_113] : memref<8xi32, #tpu.memory_space<smem>>
    %add3A_115 = arith.constant 512 : i32
    %add3A_116 = arith.addi %get3A_114, %add3A_115 : i32
    %sub3A_117 = arith.constant 1 : i32
    %sub3A_118 = arith.subi %add3A_116, %sub3A_117 : i32
    %jit3A_119 = arith.constant 512 : i32
    %div3A_120 = arith.divsi %sub3A_118, %jit3A_119 : i32
    %sign3A_121 = arith.constant 0 : i32
    %sign3A_122 = arith.cmpi sgt, %sub3A_118, %sign3A_121 : i32
    %sign3A_123 = arith.extui %sign3A_122 : i1 to i32
    %sign3A_124 = arith.constant 0 : i32
    %sign3A_125 = arith.cmpi slt, %sub3A_118, %sign3A_124 : i32
    %sign3A_126 = arith.extui %sign3A_125 : i1 to i32
    %sign3A_127 = arith.subi %sign3A_123, %sign3A_126 : i32
    %sign3A_128 = arith.constant 0 : i32
    %sign3A_129 = arith.cmpi sgt, %jit3A_119, %sign3A_128 : i32
    %sign3A_130 = arith.extui %sign3A_129 : i1 to i32
    %sign3A_131 = arith.constant 0 : i32
    %sign3A_132 = arith.cmpi slt, %jit3A_119, %sign3A_131 : i32
    %sign3A_133 = arith.extui %sign3A_132 : i1 to i32
    %sign3A_134 = arith.subi %sign3A_130, %sign3A_133 : i32
    %ne3A_135 = arith.cmpi ne, %sign3A_127, %sign3A_134 : i32
    %rem3A_136 = arith.remsi %sub3A_118, %jit3A_119 : i32
    %ne3A_137 = arith.constant 0 : i32
    %ne3A_138 = arith.cmpi ne, %rem3A_136, %ne3A_137 : i32
    %and3A_139 = arith.andi %ne3A_135, %ne3A_138 : i1
    %sub3A_140 = arith.constant 1 : i32
    %sub3A_141 = arith.subi %div3A_120, %sub3A_140 : i32
    %select_n3A_142 = arith.select %and3A_139, %sub3A_141, %div3A_120 : i32
    %add3A_143 = arith.addi %add3A_112, %select_n3A_142 : i32
    %get3A_144 = arith.constant 5 : index
    %get3A_145 = memref.load %arg1[%get3A_144] : memref<8xi32, #tpu.memory_space<smem>>
    %add3A_146 = arith.constant 512 : i32
    %add3A_147 = arith.addi %get3A_145, %add3A_146 : i32
    %sub3A_148 = arith.constant 1 : i32
    %sub3A_149 = arith.subi %add3A_147, %sub3A_148 : i32
    %jit3A_150 = arith.constant 512 : i32
    %div3A_151 = arith.divsi %sub3A_149, %jit3A_150 : i32
    %sign3A_152 = arith.constant 0 : i32
    %sign3A_153 = arith.cmpi sgt, %sub3A_149, %sign3A_152 : i32
    %sign3A_154 = arith.extui %sign3A_153 : i1 to i32
    %sign3A_155 = arith.constant 0 : i32
    %sign3A_156 = arith.cmpi slt, %sub3A_149, %sign3A_155 : i32
    %sign3A_157 = arith.extui %sign3A_156 : i1 to i32
    %sign3A_158 = arith.subi %sign3A_154, %sign3A_157 : i32
    %sign3A_159 = arith.constant 0 : i32
    %sign3A_160 = arith.cmpi sgt, %jit3A_150, %sign3A_159 : i32
    %sign3A_161 = arith.extui %sign3A_160 : i1 to i32
    %sign3A_162 = arith.constant 0 : i32
    %sign3A_163 = arith.cmpi slt, %jit3A_150, %sign3A_162 : i32
    %sign3A_164 = arith.extui %sign3A_163 : i1 to i32
    %sign3A_165 = arith.subi %sign3A_161, %sign3A_164 : i32
    %ne3A_166 = arith.cmpi ne, %sign3A_158, %sign3A_165 : i32
    %rem3A_167 = arith.remsi %sub3A_149, %jit3A_150 : i32
    %ne3A_168 = arith.constant 0 : i32
    %ne3A_169 = arith.cmpi ne, %rem3A_167, %ne3A_168 : i32
    %and3A_170 = arith.andi %ne3A_166, %ne3A_169 : i1
    %sub3A_171 = arith.constant 1 : i32
    %sub3A_172 = arith.subi %div3A_151, %sub3A_171 : i32
    %select_n3A_173 = arith.select %and3A_170, %sub3A_172, %div3A_151 : i32
    %add3A_174 = arith.addi %add3A_143, %select_n3A_173 : i32
    %get3A_175 = arith.constant 6 : index
    %get3A_176 = memref.load %arg1[%get3A_175] : memref<8xi32, #tpu.memory_space<smem>>
    %add3A_177 = arith.constant 512 : i32
    %add3A_178 = arith.addi %get3A_176, %add3A_177 : i32
    %sub3A_179 = arith.constant 1 : i32
    %sub3A_180 = arith.subi %add3A_178, %sub3A_179 : i32
    %jit3A_181 = arith.constant 512 : i32
    %div3A_182 = arith.divsi %sub3A_180, %jit3A_181 : i32
    %sign3A_183 = arith.constant 0 : i32
    %sign3A_184 = arith.cmpi sgt, %sub3A_180, %sign3A_183 : i32
    %sign3A_185 = arith.extui %sign3A_184 : i1 to i32
    %sign3A_186 = arith.constant 0 : i32
    %sign3A_187 = arith.cmpi slt, %sub3A_180, %sign3A_186 : i32
    %sign3A_188 = arith.extui %sign3A_187 : i1 to i32
    %sign3A_189 = arith.subi %sign3A_185, %sign3A_188 : i32
    %sign3A_190 = arith.constant 0 : i32
    %sign3A_191 = arith.cmpi sgt, %jit3A_181, %sign3A_190 : i32
    %sign3A_192 = arith.extui %sign3A_191 : i1 to i32
    %sign3A_193 = arith.constant 0 : i32
    %sign3A_194 = arith.cmpi slt, %jit3A_181, %sign3A_193 : i32
    %sign3A_195 = arith.extui %sign3A_194 : i1 to i32
    %sign3A_196 = arith.subi %sign3A_192, %sign3A_195 : i32
    %ne3A_197 = arith.cmpi ne, %sign3A_189, %sign3A_196 : i32
    %rem3A_198 = arith.remsi %sub3A_180, %jit3A_181 : i32
    %ne3A_199 = arith.constant 0 : i32
    %ne3A_200 = arith.cmpi ne, %rem3A_198, %ne3A_199 : i32
    %and3A_201 = arith.andi %ne3A_197, %ne3A_200 : i1
    %sub3A_202 = arith.constant 1 : i32
    %sub3A_203 = arith.subi %div3A_182, %sub3A_202 : i32
    %select_n3A_204 = arith.select %and3A_201, %sub3A_203, %div3A_182 : i32
    %add3A_205 = arith.addi %add3A_174, %select_n3A_204 : i32
    %get3A_206 = arith.constant 7 : index
    %get3A_207 = memref.load %arg1[%get3A_206] : memref<8xi32, #tpu.memory_space<smem>>
    %add3A_208 = arith.constant 512 : i32
    %add3A_209 = arith.addi %get3A_207, %add3A_208 : i32
    %sub3A_210 = arith.constant 1 : i32
    %sub3A_211 = arith.subi %add3A_209, %sub3A_210 : i32
    %jit3A_212 = arith.constant 512 : i32
    %div3A_213 = arith.divsi %sub3A_211, %jit3A_212 : i32
    %sign3A_214 = arith.constant 0 : i32
    %sign3A_215 = arith.cmpi sgt, %sub3A_211, %sign3A_214 : i32
    %sign3A_216 = arith.extui %sign3A_215 : i1 to i32
    %sign3A_217 = arith.constant 0 : i32
    %sign3A_218 = arith.cmpi slt, %sub3A_211, %sign3A_217 : i32
    %sign3A_219 = arith.extui %sign3A_218 : i1 to i32
    %sign3A_220 = arith.subi %sign3A_216, %sign3A_219 : i32
    %sign3A_221 = arith.constant 0 : i32
    %sign3A_222 = arith.cmpi sgt, %jit3A_212, %sign3A_221 : i32
    %sign3A_223 = arith.extui %sign3A_222 : i1 to i32
    %sign3A_224 = arith.constant 0 : i32
    %sign3A_225 = arith.cmpi slt, %jit3A_212, %sign3A_224 : i32
    %sign3A_226 = arith.extui %sign3A_225 : i1 to i32
    %sign3A_227 = arith.subi %sign3A_223, %sign3A_226 : i32
    %ne3A_228 = arith.cmpi ne, %sign3A_220, %sign3A_227 : i32
    %rem3A_229 = arith.remsi %sub3A_211, %jit3A_212 : i32
    %ne3A_230 = arith.constant 0 : i32
    %ne3A_231 = arith.cmpi ne, %rem3A_229, %ne3A_230 : i32
    %and3A_232 = arith.andi %ne3A_228, %ne3A_231 : i1
    %sub3A_233 = arith.constant 1 : i32
    %sub3A_234 = arith.subi %div3A_213, %sub3A_233 : i32
    %select_n3A_235 = arith.select %and3A_232, %sub3A_234, %div3A_213 : i32
    %add3A_236 = arith.addi %add3A_205, %select_n3A_235 : i32
    %while3A = arith.constant 0 : i32
    %while3A_237 = arith.constant 0 : i32
    %while3A_238 = arith.constant 0 : i32
    %while3A_239 = arith.subi %add3A_236, %while3A : i32
    %while3A_240 = arith.addi %while3A, %while3A_239 : i32
    %while3A_241 = arith.constant 1 : i32
    %while3A_242 = arith.divsi %while3A_239, %while3A_241 : i32
    %while3A_243 = arith.muli %while3A_242, %while3A_241 : i32
    %while3A_244 = arith.addi %while3A, %while3A_243 : i32
    %while3A_245 = arith.constant 1 : i32
    %while3A_246:2 = scf.for %while3A_250 = %while3A to %while3A_244 step %while3A_245 iter_args(%while3A_251 = %while3A_237, %while3A_252 = %while3A_238) -> (i32, i32)  : i32 {
      %swap3A = arith.index_cast %while3A_250 : i32 to index
      %swap3A_253 = memref.load %arg5[%swap3A] : memref<32xi32, #tpu.memory_space<smem>>
      memref.store %while3A_251, %arg5[%swap3A] : memref<32xi32, #tpu.memory_space<smem>>
      %swap3A_254 = arith.index_cast %while3A_250 : i32 to index
      %swap3A_255 = memref.load %arg6[%swap3A_254] : memref<32xi32, #tpu.memory_space<smem>>
      memref.store %while3A_252, %arg6[%swap3A_254] : memref<32xi32, #tpu.memory_space<smem>>
      %add3A_256 = arith.constant 1 : i32
      %add3A_257 = arith.addi %while3A_252, %add3A_256 : i32
      %get3A_258 = arith.index_cast %while3A_251 : i32 to index
      %get3A_259 = memref.load %arg1[%get3A_258] : memref<8xi32, #tpu.memory_space<smem>>
      %add3A_260 = arith.constant 512 : i32
      %add3A_261 = arith.addi %get3A_259, %add3A_260 : i32
      %sub3A_262 = arith.constant 1 : i32
      %sub3A_263 = arith.subi %add3A_261, %sub3A_262 : i32
      %jit3A_264 = arith.constant 512 : i32
      %div3A_265 = arith.divsi %sub3A_263, %jit3A_264 : i32
      %sign3A_266 = arith.constant 0 : i32
      %sign3A_267 = arith.cmpi sgt, %sub3A_263, %sign3A_266 : i32
      %sign3A_268 = arith.extui %sign3A_267 : i1 to i32
      %sign3A_269 = arith.constant 0 : i32
      %sign3A_270 = arith.cmpi slt, %sub3A_263, %sign3A_269 : i32
      %sign3A_271 = arith.extui %sign3A_270 : i1 to i32
      %sign3A_272 = arith.subi %sign3A_268, %sign3A_271 : i32
      %sign3A_273 = arith.constant 0 : i32
      %sign3A_274 = arith.cmpi sgt, %jit3A_264, %sign3A_273 : i32
      %sign3A_275 = arith.extui %sign3A_274 : i1 to i32
      %sign3A_276 = arith.constant 0 : i32
      %sign3A_277 = arith.cmpi slt, %jit3A_264, %sign3A_276 : i32
      %sign3A_278 = arith.extui %sign3A_277 : i1 to i32
      %sign3A_279 = arith.subi %sign3A_275, %sign3A_278 : i32
      %ne3A_280 = arith.cmpi ne, %sign3A_272, %sign3A_279 : i32
      %rem3A_281 = arith.remsi %sub3A_263, %jit3A_264 : i32
      %ne3A_282 = arith.constant 0 : i32
      %ne3A_283 = arith.cmpi ne, %rem3A_281, %ne3A_282 : i32
      %and3A_284 = arith.andi %ne3A_280, %ne3A_283 : i1
      %sub3A_285 = arith.constant 1 : i32
      %sub3A_286 = arith.subi %div3A_265, %sub3A_285 : i32
      %select_n3A_287 = arith.select %and3A_284, %sub3A_286, %div3A_265 : i32
      %eq3A = arith.cmpi eq, %add3A_257, %select_n3A_287 : i32
      %add3A_288 = arith.constant 1 : i32
      %add3A_289 = arith.addi %while3A_251, %add3A_288 : i32
      %select_n3A_290 = arith.select %eq3A, %add3A_289, %while3A_251 : i32
      %add3A_291 = arith.constant 1 : i32
      %add3A_292 = arith.addi %while3A_252, %add3A_291 : i32
      %jit3A_293 = arith.constant 0 : i32
      %select_n3A_294 = arith.select %eq3A, %jit3A_293, %add3A_292 : i32
      scf.yield %select_n3A_290, %select_n3A_294 : i32, i32
    }
    %while3A_247 = arith.constant 1 : i32
    %while3A_248:2 = scf.for %while3A_250 = %while3A_244 to %while3A_240 step %while3A_247 iter_args(%while3A_251 = %while3A_246#0, %while3A_252 = %while3A_246#1) -> (i32, i32)  : i32 {
      %swap3A = arith.index_cast %while3A_250 : i32 to index
      %swap3A_253 = memref.load %arg5[%swap3A] : memref<32xi32, #tpu.memory_space<smem>>
      memref.store %while3A_251, %arg5[%swap3A] : memref<32xi32, #tpu.memory_space<smem>>
      %swap3A_254 = arith.index_cast %while3A_250 : i32 to index
      %swap3A_255 = memref.load %arg6[%swap3A_254] : memref<32xi32, #tpu.memory_space<smem>>
      memref.store %while3A_252, %arg6[%swap3A_254] : memref<32xi32, #tpu.memory_space<smem>>
      %add3A_256 = arith.constant 1 : i32
      %add3A_257 = arith.addi %while3A_252, %add3A_256 : i32
      %get3A_258 = arith.index_cast %while3A_251 : i32 to index
      %get3A_259 = memref.load %arg1[%get3A_258] : memref<8xi32, #tpu.memory_space<smem>>
      %add3A_260 = arith.constant 512 : i32
      %add3A_261 = arith.addi %get3A_259, %add3A_260 : i32
      %sub3A_262 = arith.constant 1 : i32
      %sub3A_263 = arith.subi %add3A_261, %sub3A_262 : i32
      %jit3A_264 = arith.constant 512 : i32
      %div3A_265 = arith.divsi %sub3A_263, %jit3A_264 : i32
      %sign3A_266 = arith.constant 0 : i32
      %sign3A_267 = arith.cmpi sgt, %sub3A_263, %sign3A_266 : i32
      %sign3A_268 = arith.extui %sign3A_267 : i1 to i32
      %sign3A_269 = arith.constant 0 : i32
      %sign3A_270 = arith.cmpi slt, %sub3A_263, %sign3A_269 : i32
      %sign3A_271 = arith.extui %sign3A_270 : i1 to i32
      %sign3A_272 = arith.subi %sign3A_268, %sign3A_271 : i32
      %sign3A_273 = arith.constant 0 : i32
      %sign3A_274 = arith.cmpi sgt, %jit3A_264, %sign3A_273 : i32
      %sign3A_275 = arith.extui %sign3A_274 : i1 to i32
      %sign3A_276 = arith.constant 0 : i32
      %sign3A_277 = arith.cmpi slt, %jit3A_264, %sign3A_276 : i32
      %sign3A_278 = arith.extui %sign3A_277 : i1 to i32
      %sign3A_279 = arith.subi %sign3A_275, %sign3A_278 : i32
      %ne3A_280 = arith.cmpi ne, %sign3A_272, %sign3A_279 : i32
      %rem3A_281 = arith.remsi %sub3A_263, %jit3A_264 : i32
      %ne3A_282 = arith.constant 0 : i32
      %ne3A_283 = arith.cmpi ne, %rem3A_281, %ne3A_282 : i32
      %and3A_284 = arith.andi %ne3A_280, %ne3A_283 : i1
      %sub3A_285 = arith.constant 1 : i32
      %sub3A_286 = arith.subi %div3A_265, %sub3A_285 : i32
      %select_n3A_287 = arith.select %and3A_284, %sub3A_286, %div3A_265 : i32
      %eq3A = arith.cmpi eq, %add3A_257, %select_n3A_287 : i32
      %add3A_288 = arith.constant 1 : i32
      %add3A_289 = arith.addi %while3A_251, %add3A_288 : i32
      %select_n3A_290 = arith.select %eq3A, %add3A_289, %while3A_251 : i32
      %add3A_291 = arith.constant 1 : i32
      %add3A_292 = arith.addi %while3A_252, %add3A_291 : i32
      %jit3A_293 = arith.constant 0 : i32
      %select_n3A_294 = arith.select %eq3A, %jit3A_293, %add3A_292 : i32
      scf.yield %select_n3A_290, %select_n3A_294 : i32, i32
    }
    %mul3A = arith.constant 1 : i32
    %mul3A_249 = arith.muli %mul3A, %add3A_236 : i32
    "tpu.region"() ({
      %run_scoped3A = memref.alloca() : memref<4x1x1x512x1024xf32, #tpu.memory_space<vmem>>
      %run_scoped3A_250 = tpu.sem_alloc : memref<4x!tpu.dma_semaphore, #tpu.memory_space<semaphore_mem>>
      %gt3A = arith.constant 0 : i32
      %gt3A_251 = arith.cmpi sgt, %mul3A_249, %gt3A : i32
      %convert_element_type3A = arith.extui %gt3A_251 : i1 to i32
      %cond3A = arith.constant 0 : i32
      %cond3A_252 = arith.cmpi ne, %convert_element_type3A, %cond3A : i32
      scf.if %cond3A_252 {
        %mul3A_253 = arith.constant 1 : i32
        %mul3A_254 = arith.muli %mul3A_253, %add3A_236 : i32
        %sub3A_255 = arith.constant 1 : i32
        %sub3A_256 = arith.subi %mul3A_254, %sub3A_255 : i32
        %eq3A = arith.constant 0 : i32
        %eq3A_257 = arith.cmpi eq, %sub3A_256, %eq3A : i32
        %select_n3A_258 = arith.constant true
        %select_n3A_259 = arith.constant 0 : i32
        %select_n3A_260 = arith.constant -1 : i32
        %select_n3A_261 = arith.select %select_n3A_258, %select_n3A_260, %select_n3A_259 : i32
        %eq3A_262 = arith.constant -1 : i32
        %eq3A_263 = arith.cmpi eq, %select_n3A_261, %eq3A_262 : i32
        %sub3A_264 = arith.constant 1 : i32
        %sub3A_265 = arith.subi %add3A_236, %sub3A_264 : i32
        %select_n3A_266 = arith.select %eq3A_263, %sub3A_265, %select_n3A_261 : i32
        %add3A_267 = arith.constant 0 : i32
        %add3A_268 = arith.addi %select_n3A_266, %add3A_267 : i32
        %select_n3A_269 = arith.constant true
        %select_n3A_270 = arith.constant 0 : i32
        %select_n3A_271 = arith.constant 1 : i32
        %select_n3A_272 = arith.select %select_n3A_269, %select_n3A_271, %select_n3A_270 : i32
        %eq3A_273 = arith.cmpi eq, %select_n3A_272, %add3A_236 : i32
        %select_n3A_274 = arith.constant 0 : i32
        %select_n3A_275 = arith.select %eq3A_273, %select_n3A_274, %select_n3A_272 : i32
        %add3A_276 = arith.constant 0 : i32
        %add3A_277 = arith.addi %select_n3A_275, %add3A_276 : i32
        %add3A_278 = arith.constant 1 : i32
        %add3A_279 = arith.addi %select_n3A_275, %add3A_278 : i32
        %select_n3A_280 = arith.constant true
        %select_n3A_281 = arith.select %select_n3A_280, %add3A_279, %select_n3A_275 : i32
        %eq3A_282 = arith.cmpi eq, %select_n3A_281, %add3A_236 : i32
        %select_n3A_283 = arith.constant 0 : i32
        %select_n3A_284 = arith.select %eq3A_282, %select_n3A_283, %select_n3A_281 : i32
        %add3A_285 = arith.constant 0 : i32
        %add3A_286 = arith.addi %select_n3A_284, %add3A_285 : i32
        %add3A_287 = arith.constant 1 : i32
        %add3A_288 = arith.addi %select_n3A_284, %add3A_287 : i32
        %select_n3A_289 = arith.constant true
        %select_n3A_290 = arith.select %select_n3A_289, %add3A_288, %select_n3A_284 : i32
        %eq3A_291 = arith.cmpi eq, %select_n3A_290, %add3A_236 : i32
        %select_n3A_292 = arith.constant 0 : i32
        %select_n3A_293 = arith.select %eq3A_291, %select_n3A_292, %select_n3A_290 : i32
        %add3A_294 = arith.constant 0 : i32
        %add3A_295 = arith.addi %select_n3A_293, %add3A_294 : i32
        %add3A_296 = arith.constant 1 : i32
        %add3A_297 = arith.addi %select_n3A_293, %add3A_296 : i32
        %select_n3A_298 = arith.constant true
        %select_n3A_299 = arith.select %select_n3A_298, %add3A_297, %select_n3A_293 : i32
        %eq3A_300 = arith.cmpi eq, %select_n3A_299, %add3A_236 : i32
        %select_n3A_301 = arith.constant 0 : i32
        %select_n3A_302 = arith.select %eq3A_300, %select_n3A_301, %select_n3A_299 : i32
        %add3A_303 = arith.constant 0 : i32
        %add3A_304 = arith.addi %select_n3A_302, %add3A_303 : i32
        "tpu.trace_start"() <{level = 10 : i32, message = "ep_initialize_0"}> : () -> ()
        %rem3A_305 = arith.constant 0 : i32
        %rem3A_306 = arith.constant 4 : i32
        %rem3A_307 = arith.remui %rem3A_305, %rem3A_306 : i32
        %get3A_308 = arith.constant 0 : index
        %get3A_309 = memref.load %arg5[%get3A_308] : memref<32xi32, #tpu.memory_space<smem>>
        %get3A_310 = arith.constant 0 : index
        %get3A_311 = memref.load %arg6[%get3A_310] : memref<32xi32, #tpu.memory_space<smem>>
        %mul3A_312 = arith.constant 1 : i32
        %mul3A_313 = arith.muli %mul3A_312, %get3A_309 : i32
        %mul3A_314 = arith.constant 512 : i32
        %mul3A_315 = arith.muli %mul3A_314, %get3A_311 : i32
        %dma_start3A = tpu.memref_slice %run_scoped3A_250[%rem3A_307] : memref<4x!tpu.dma_semaphore, #tpu.memory_space<semaphore_mem>> -> memref<1x!tpu.dma_semaphore, #tpu.memory_space<semaphore_mem>>
        %dma_start3A_316 = tpu.memref_squeeze %dma_start3A : memref<1x!tpu.dma_semaphore, #tpu.memory_space<semaphore_mem>> -> memref<!tpu.dma_semaphore, #tpu.memory_space<semaphore_mem>>
        %dma_start3A_317 = arith.constant 0 : i32
        %dma_start3A_318 = arith.constant 0 : i32
        %dma_start3A_319 = arith.constant 0 : i32
        %dma_start3A_320 = arith.constant 0 : i32
        %dma_start3A_321 = tpu.memref_slice %run_scoped3A[%rem3A_307, %dma_start3A_317, %dma_start3A_318, %dma_start3A_319, %dma_start3A_320] : memref<4x1x1x512x1024xf32, #tpu.memory_space<vmem>> -> memref<1x1x1x512x1024xf32, #tpu.memory_space<vmem>>
        %dma_start3A_322 = tpu.memref_squeeze %dma_start3A_321 : memref<1x1x1x512x1024xf32, #tpu.memory_space<vmem>> -> memref<1x1x512x1024xf32, #tpu.memory_space<vmem>>
        %dma_start3A_323 = arith.constant 3 : i32
        %dma_start3A_324 = arith.constant 0 : i32
        %dma_start3A_325 = tpu.memref_slice %arg3[%mul3A_313, %dma_start3A_323, %mul3A_315, %dma_start3A_324] : memref<8x4x2048x1024xf32, #tpu.memory_space<any>> -> memref<1x1x512x1024xf32, #tpu.memory_space<any>>
        tpu.enqueue_dma source(%dma_start3A_325 : memref<1x1x512x1024xf32, #tpu.memory_space<any>>) target(%dma_start3A_322 : memref<1x1x512x1024xf32, #tpu.memory_space<vmem>>) target_semaphore(%dma_start3A_316 : memref<!tpu.dma_semaphore, #tpu.memory_space<semaphore_mem>>)
        %add3A_326 = arith.constant 0 : i32
        %add3A_327 = arith.constant 1 : i32
        %add3A_328 = arith.addi %add3A_326, %add3A_327 : i32
        %select_n3A_329 = arith.constant true
        %select_n3A_330 = arith.constant 0 : i32
        %select_n3A_331 = arith.select %select_n3A_329, %add3A_328, %select_n3A_330 : i32
        "tpu.trace_stop"() : () -> ()
        "tpu.trace_start"() <{level = 10 : i32, message = "ep_initialize_1"}> : () -> ()
        %get3A_332 = arith.index_cast %add3A_277 : i32 to index
        %get3A_333 = memref.load %arg5[%get3A_332] : memref<32xi32, #tpu.memory_space<smem>>
        %get3A_334 = arith.index_cast %add3A_277 : i32 to index
        %get3A_335 = memref.load %arg6[%get3A_334] : memref<32xi32, #tpu.memory_space<smem>>
        %get3A_336 = arith.constant 0 : index
        %get3A_337 = memref.load %arg5[%get3A_336] : memref<32xi32, #tpu.memory_space<smem>>
        %get3A_338 = arith.constant 0 : index
        %get3A_339 = memref.load %arg6[%get3A_338] : memref<32xi32, #tpu.memory_space<smem>>
        %ne3A_340 = arith.cmpi ne, %get3A_333, %get3A_337 : i32
        %ne3A_341 = arith.cmpi ne, %get3A_335, %get3A_339 : i32
        %or3A = arith.constant false
        %or3A_342 = arith.ori %or3A, %ne3A_340 : i1
        %or3A_343 = arith.constant false
        %or3A_344 = arith.ori %or3A_342, %or3A_343 : i1
        %or3A_345 = arith.ori %or3A_344, %ne3A_341 : i1
        %or3A_346 = arith.constant false
        %or3A_347 = arith.ori %or3A_345, %or3A_346 : i1
        %and3A_348 = arith.constant true
        %and3A_349 = arith.andi %and3A_348, %or3A_347 : i1
        %convert_element_type3A_350 = arith.extui %and3A_349 : i1 to i32
        %cond3A_351 = arith.constant 0 : i32
        %cond3A_352 = arith.cmpi ne, %convert_element_type3A_350, %cond3A_351 : i32
        scf.if %cond3A_352 {
          %rem3A_464 = arith.constant 4 : i32
          %rem3A_465 = arith.remui %select_n3A_331, %rem3A_464 : i32
          %get3A_466 = arith.index_cast %add3A_277 : i32 to index
          %get3A_467 = memref.load %arg5[%get3A_466] : memref<32xi32, #tpu.memory_space<smem>>
          %get3A_468 = arith.index_cast %add3A_277 : i32 to index
          %get3A_469 = memref.load %arg6[%get3A_468] : memref<32xi32, #tpu.memory_space<smem>>
          %mul3A_470 = arith.constant 1 : i32
          %mul3A_471 = arith.muli %mul3A_470, %get3A_467 : i32
          %mul3A_472 = arith.constant 512 : i32
          %mul3A_473 = arith.muli %mul3A_472, %get3A_469 : i32
          %dma_start3A_474 = tpu.memref_slice %run_scoped3A_250[%rem3A_465] : memref<4x!tpu.dma_semaphore, #tpu.memory_space<semaphore_mem>> -> memref<1x!tpu.dma_semaphore, #tpu.memory_space<semaphore_mem>>
          %dma_start3A_475 = tpu.memref_squeeze %dma_start3A_474 : memref<1x!tpu.dma_semaphore, #tpu.memory_space<semaphore_mem>> -> memref<!tpu.dma_semaphore, #tpu.memory_space<semaphore_mem>>
          %dma_start3A_476 = arith.constant 0 : i32
          %dma_start3A_477 = arith.constant 0 : i32
          %dma_start3A_478 = arith.constant 0 : i32
          %dma_start3A_479 = arith.constant 0 : i32
          %dma_start3A_480 = tpu.memref_slice %run_scoped3A[%rem3A_465, %dma_start3A_476, %dma_start3A_477, %dma_start3A_478, %dma_start3A_479] : memref<4x1x1x512x1024xf32, #tpu.memory_space<vmem>> -> memref<1x1x1x512x1024xf32, #tpu.memory_space<vmem>>
          %dma_start3A_481 = tpu.memref_squeeze %dma_start3A_480 : memref<1x1x1x512x1024xf32, #tpu.memory_space<vmem>> -> memref<1x1x512x1024xf32, #tpu.memory_space<vmem>>
          %dma_start3A_482 = arith.constant 3 : i32
          %dma_start3A_483 = arith.constant 0 : i32
          %dma_start3A_484 = tpu.memref_slice %arg3[%mul3A_471, %dma_start3A_482, %mul3A_473, %dma_start3A_483] : memref<8x4x2048x1024xf32, #tpu.memory_space<any>> -> memref<1x1x512x1024xf32, #tpu.memory_space<any>>
          tpu.enqueue_dma source(%dma_start3A_484 : memref<1x1x512x1024xf32, #tpu.memory_space<any>>) target(%dma_start3A_481 : memref<1x1x512x1024xf32, #tpu.memory_space<vmem>>) target_semaphore(%dma_start3A_475 : memref<!tpu.dma_semaphore, #tpu.memory_space<semaphore_mem>>)
        } else {
        }
        %add3A_353 = arith.constant 1 : i32
        %add3A_354 = arith.addi %select_n3A_331, %add3A_353 : i32
        %select_n3A_355 = arith.select %and3A_349, %add3A_354, %select_n3A_331 : i32
        "tpu.trace_stop"() : () -> ()
        "tpu.trace_start"() <{level = 10 : i32, message = "ep_initialize_2"}> : () -> ()
        %get3A_356 = arith.index_cast %add3A_286 : i32 to index
        %get3A_357 = memref.load %arg5[%get3A_356] : memref<32xi32, #tpu.memory_space<smem>>
        %get3A_358 = arith.index_cast %add3A_286 : i32 to index
        %get3A_359 = memref.load %arg6[%get3A_358] : memref<32xi32, #tpu.memory_space<smem>>
        %get3A_360 = arith.index_cast %add3A_277 : i32 to index
        %get3A_361 = memref.load %arg5[%get3A_360] : memref<32xi32, #tpu.memory_space<smem>>
        %get3A_362 = arith.index_cast %add3A_277 : i32 to index
        %get3A_363 = memref.load %arg6[%get3A_362] : memref<32xi32, #tpu.memory_space<smem>>
        %ne3A_364 = arith.cmpi ne, %get3A_357, %get3A_361 : i32
        %ne3A_365 = arith.cmpi ne, %get3A_359, %get3A_363 : i32
        %or3A_366 = arith.constant false
        %or3A_367 = arith.ori %or3A_366, %ne3A_364 : i1
        %or3A_368 = arith.constant false
        %or3A_369 = arith.ori %or3A_367, %or3A_368 : i1
        %or3A_370 = arith.ori %or3A_369, %ne3A_365 : i1
        %or3A_371 = arith.constant false
        %or3A_372 = arith.ori %or3A_370, %or3A_371 : i1
        %and3A_373 = arith.constant true
        %and3A_374 = arith.andi %and3A_373, %or3A_372 : i1
        %convert_element_type3A_375 = arith.extui %and3A_374 : i1 to i32
        %cond3A_376 = arith.constant 0 : i32
        %cond3A_377 = arith.cmpi ne, %convert_element_type3A_375, %cond3A_376 : i32
        scf.if %cond3A_377 {
          %rem3A_464 = arith.constant 4 : i32
          %rem3A_465 = arith.remui %select_n3A_355, %rem3A_464 : i32
          %get3A_466 = arith.index_cast %add3A_286 : i32 to index
          %get3A_467 = memref.load %arg5[%get3A_466] : memref<32xi32, #tpu.memory_space<smem>>
          %get3A_468 = arith.index_cast %add3A_286 : i32 to index
          %get3A_469 = memref.load %arg6[%get3A_468] : memref<32xi32, #tpu.memory_space<smem>>
          %mul3A_470 = arith.constant 1 : i32
          %mul3A_471 = arith.muli %mul3A_470, %get3A_467 : i32
          %mul3A_472 = arith.constant 512 : i32
          %mul3A_473 = arith.muli %mul3A_472, %get3A_469 : i32
          %dma_start3A_474 = tpu.memref_slice %run_scoped3A_250[%rem3A_465] : memref<4x!tpu.dma_semaphore, #tpu.memory_space<semaphore_mem>> -> memref<1x!tpu.dma_semaphore, #tpu.memory_space<semaphore_mem>>
          %dma_start3A_475 = tpu.memref_squeeze %dma_start3A_474 : memref<1x!tpu.dma_semaphore, #tpu.memory_space<semaphore_mem>> -> memref<!tpu.dma_semaphore, #tpu.memory_space<semaphore_mem>>
          %dma_start3A_476 = arith.constant 0 : i32
          %dma_start3A_477 = arith.constant 0 : i32
          %dma_start3A_478 = arith.constant 0 : i32
          %dma_start3A_479 = arith.constant 0 : i32
          %dma_start3A_480 = tpu.memref_slice %run_scoped3A[%rem3A_465, %dma_start3A_476, %dma_start3A_477, %dma_start3A_478, %dma_start3A_479] : memref<4x1x1x512x1024xf32, #tpu.memory_space<vmem>> -> memref<1x1x1x512x1024xf32, #tpu.memory_space<vmem>>
          %dma_start3A_481 = tpu.memref_squeeze %dma_start3A_480 : memref<1x1x1x512x1024xf32, #tpu.memory_space<vmem>> -> memref<1x1x512x1024xf32, #tpu.memory_space<vmem>>
          %dma_start3A_482 = arith.constant 3 : i32
          %dma_start3A_483 = arith.constant 0 : i32
          %dma_start3A_484 = tpu.memref_slice %arg3[%mul3A_471, %dma_start3A_482, %mul3A_473, %dma_start3A_483] : memref<8x4x2048x1024xf32, #tpu.memory_space<any>> -> memref<1x1x512x1024xf32, #tpu.memory_space<any>>
          tpu.enqueue_dma source(%dma_start3A_484 : memref<1x1x512x1024xf32, #tpu.memory_space<any>>) target(%dma_start3A_481 : memref<1x1x512x1024xf32, #tpu.memory_space<vmem>>) target_semaphore(%dma_start3A_475 : memref<!tpu.dma_semaphore, #tpu.memory_space<semaphore_mem>>)
        } else {
        }
        %add3A_378 = arith.constant 1 : i32
        %add3A_379 = arith.addi %select_n3A_355, %add3A_378 : i32
        %select_n3A_380 = arith.select %and3A_374, %add3A_379, %select_n3A_355 : i32
        %while3A_381 = arith.constant 0 : i32
        %while3A_382 = arith.constant 0 : i32
        %while3A_383 = arith.constant 0 : i32
        "tpu.trace_stop"() : () -> ()
        %while3A_384 = arith.subi %mul3A_249, %while3A_381 : i32
        %while3A_385 = arith.addi %while3A_381, %while3A_384 : i32
        %while3A_386 = arith.constant 1 : i32
        %while3A_387 = arith.divsi %while3A_384, %while3A_386 : i32
        %while3A_388 = arith.muli %while3A_387, %while3A_386 : i32
        %while3A_389 = arith.addi %while3A_381, %while3A_388 : i32
        %while3A_390 = arith.constant 1 : i32
        %while3A_391:3 = scf.for %while3A_464 = %while3A_381 to %while3A_389 step %while3A_390 iter_args(%while3A_465 = %select_n3A_380, %while3A_466 = %while3A_382, %while3A_467 = %while3A_383) -> (i32, i32, i32)  : i32 {
          %mul3A_468 = arith.constant 1 : i32
          %mul3A_469 = arith.muli %mul3A_468, %add3A_236 : i32
          %eq3A_470 = arith.constant 0 : i32
          %eq3A_471 = arith.cmpi eq, %while3A_464, %eq3A_470 : i32
          %sub3A_472 = arith.constant 1 : i32
          %sub3A_473 = arith.subi %mul3A_469, %sub3A_472 : i32
          %eq3A_474 = arith.cmpi eq, %while3A_464, %sub3A_473 : i32
          %add3A_475 = arith.constant 0 : i32
          %add3A_476 = arith.addi %while3A_467, %add3A_475 : i32
          %sub3A_477 = arith.constant 1 : i32
          %sub3A_478 = arith.subi %while3A_467, %sub3A_477 : i32
          %select_n3A_479 = arith.constant true
          %select_n3A_480 = arith.select %select_n3A_479, %sub3A_478, %while3A_467 : i32
          %eq3A_481 = arith.constant -1 : i32
          %eq3A_482 = arith.cmpi eq, %select_n3A_480, %eq3A_481 : i32
          %sub3A_483 = arith.constant 1 : i32
          %sub3A_484 = arith.subi %add3A_236, %sub3A_483 : i32
          %select_n3A_485 = arith.select %eq3A_482, %sub3A_484, %select_n3A_480 : i32
          %add3A_486 = arith.constant 0 : i32
          %add3A_487 = arith.addi %select_n3A_485, %add3A_486 : i32
          %add3A_488 = arith.constant 1 : i32
          %add3A_489 = arith.addi %while3A_467, %add3A_488 : i32
          %select_n3A_490 = arith.constant true
          %select_n3A_491 = arith.select %select_n3A_490, %add3A_489, %while3A_467 : i32
          %eq3A_492 = arith.cmpi eq, %select_n3A_491, %add3A_236 : i32
          %select_n3A_493 = arith.constant 0 : i32
          %select_n3A_494 = arith.select %eq3A_492, %select_n3A_493, %select_n3A_491 : i32
          %add3A_495 = arith.constant 0 : i32
          %add3A_496 = arith.addi %select_n3A_494, %add3A_495 : i32
          %add3A_497 = arith.constant 1 : i32
          %add3A_498 = arith.addi %select_n3A_494, %add3A_497 : i32
          %select_n3A_499 = arith.constant true
          %select_n3A_500 = arith.select %select_n3A_499, %add3A_498, %select_n3A_494 : i32
          %eq3A_501 = arith.cmpi eq, %select_n3A_500, %add3A_236 : i32
          %select_n3A_502 = arith.constant 0 : i32
          %select_n3A_503 = arith.select %eq3A_501, %select_n3A_502, %select_n3A_500 : i32
          %add3A_504 = arith.constant 0 : i32
          %add3A_505 = arith.addi %select_n3A_503, %add3A_504 : i32
          %add3A_506 = arith.constant 1 : i32
          %add3A_507 = arith.addi %select_n3A_503, %add3A_506 : i32
          %select_n3A_508 = arith.constant true
          %select_n3A_509 = arith.select %select_n3A_508, %add3A_507, %select_n3A_503 : i32
          %eq3A_510 = arith.cmpi eq, %select_n3A_509, %add3A_236 : i32
          %select_n3A_511 = arith.constant 0 : i32
          %select_n3A_512 = arith.select %eq3A_510, %select_n3A_511, %select_n3A_509 : i32
          %add3A_513 = arith.constant 0 : i32
          %add3A_514 = arith.addi %select_n3A_512, %add3A_513 : i32
          %add3A_515 = arith.constant 1 : i32
          %add3A_516 = arith.addi %select_n3A_512, %add3A_515 : i32
          %select_n3A_517 = arith.constant true
          %select_n3A_518 = arith.select %select_n3A_517, %add3A_516, %select_n3A_512 : i32
          %eq3A_519 = arith.cmpi eq, %select_n3A_518, %add3A_236 : i32
          %select_n3A_520 = arith.constant 0 : i32
          %select_n3A_521 = arith.select %eq3A_519, %select_n3A_520, %select_n3A_518 : i32
          %add3A_522 = arith.constant 0 : i32
          %add3A_523 = arith.addi %select_n3A_521, %add3A_522 : i32
          %get3A_524 = arith.index_cast %add3A_505 : i32 to index
          %get3A_525 = memref.load %arg5[%get3A_524] : memref<32xi32, #tpu.memory_space<smem>>
          %get3A_526 = arith.index_cast %add3A_505 : i32 to index
          %get3A_527 = memref.load %arg6[%get3A_526] : memref<32xi32, #tpu.memory_space<smem>>
          %get3A_528 = arith.index_cast %add3A_514 : i32 to index
          %get3A_529 = memref.load %arg5[%get3A_528] : memref<32xi32, #tpu.memory_space<smem>>
          %get3A_530 = arith.index_cast %add3A_514 : i32 to index
          %get3A_531 = memref.load %arg6[%get3A_530] : memref<32xi32, #tpu.memory_space<smem>>
          %ne3A_532 = arith.cmpi ne, %get3A_525, %get3A_529 : i32
          %ne3A_533 = arith.cmpi ne, %get3A_527, %get3A_531 : i32
          %or3A_534 = arith.constant false
          %or3A_535 = arith.ori %or3A_534, %ne3A_532 : i1
          %or3A_536 = arith.constant false
          %or3A_537 = arith.ori %or3A_535, %or3A_536 : i1
          %or3A_538 = arith.ori %or3A_537, %ne3A_533 : i1
          %or3A_539 = arith.constant false
          %or3A_540 = arith.ori %or3A_538, %or3A_539 : i1
          %sub3A_541 = arith.constant 4 : i32
          %sub3A_542 = arith.subi %mul3A_469, %sub3A_541 : i32
          %add3A_543 = arith.constant 1 : i32
          %add3A_544 = arith.addi %sub3A_542, %add3A_543 : i32
          %ge3A = arith.cmpi sge, %while3A_464, %add3A_544 : i32
          %not3A = arith.constant true
          %not3A_545 = arith.xori %ge3A, %not3A : i1
          %and3A_546 = arith.andi %or3A_540, %not3A_545 : i1
          %convert_element_type3A_547 = arith.extui %and3A_546 : i1 to i32
          %cond3A_548 = arith.constant 0 : i32
          %cond3A_549 = arith.cmpi ne, %convert_element_type3A_547, %cond3A_548 : i32
          scf.if %cond3A_549 {
            "tpu.trace_start"() <{level = 10 : i32, message = "ep_copy_in"}> : () -> ()
            %rem3A_692 = arith.constant 4 : i32
            %rem3A_693 = arith.remui %while3A_465, %rem3A_692 : i32
            %get3A_694 = arith.index_cast %add3A_514 : i32 to index
            %get3A_695 = memref.load %arg5[%get3A_694] : memref<32xi32, #tpu.memory_space<smem>>
            %get3A_696 = arith.index_cast %add3A_514 : i32 to index
            %get3A_697 = memref.load %arg6[%get3A_696] : memref<32xi32, #tpu.memory_space<smem>>
            %mul3A_698 = arith.constant 1 : i32
            %mul3A_699 = arith.muli %mul3A_698, %get3A_695 : i32
            %mul3A_700 = arith.constant 512 : i32
            %mul3A_701 = arith.muli %mul3A_700, %get3A_697 : i32
            %dma_start3A_702 = tpu.memref_slice %run_scoped3A_250[%rem3A_693] : memref<4x!tpu.dma_semaphore, #tpu.memory_space<semaphore_mem>> -> memref<1x!tpu.dma_semaphore, #tpu.memory_space<semaphore_mem>>
            %dma_start3A_703 = tpu.memref_squeeze %dma_start3A_702 : memref<1x!tpu.dma_semaphore, #tpu.memory_space<semaphore_mem>> -> memref<!tpu.dma_semaphore, #tpu.memory_space<semaphore_mem>>
            %dma_start3A_704 = arith.constant 0 : i32
            %dma_start3A_705 = arith.constant 0 : i32
            %dma_start3A_706 = arith.constant 0 : i32
            %dma_start3A_707 = arith.constant 0 : i32
            %dma_start3A_708 = tpu.memref_slice %run_scoped3A[%rem3A_693, %dma_start3A_704, %dma_start3A_705, %dma_start3A_706, %dma_start3A_707] : memref<4x1x1x512x1024xf32, #tpu.memory_space<vmem>> -> memref<1x1x1x512x1024xf32, #tpu.memory_space<vmem>>
            %dma_start3A_709 = tpu.memref_squeeze %dma_start3A_708 : memref<1x1x1x512x1024xf32, #tpu.memory_space<vmem>> -> memref<1x1x512x1024xf32, #tpu.memory_space<vmem>>
            %dma_start3A_710 = arith.constant 3 : i32
            %dma_start3A_711 = arith.constant 0 : i32
            %dma_start3A_712 = tpu.memref_slice %arg3[%mul3A_699, %dma_start3A_710, %mul3A_701, %dma_start3A_711] : memref<8x4x2048x1024xf32, #tpu.memory_space<any>> -> memref<1x1x512x1024xf32, #tpu.memory_space<any>>
            tpu.enqueue_dma source(%dma_start3A_712 : memref<1x1x512x1024xf32, #tpu.memory_space<any>>) target(%dma_start3A_709 : memref<1x1x512x1024xf32, #tpu.memory_space<vmem>>) target_semaphore(%dma_start3A_703 : memref<!tpu.dma_semaphore, #tpu.memory_space<semaphore_mem>>)
            "tpu.trace_stop"() : () -> ()
          } else {
          }
          %and3A_550 = arith.constant true
          %and3A_551 = arith.andi %and3A_546, %and3A_550 : i1
          %add3A_552 = arith.constant 1 : i32
          %add3A_553 = arith.addi %while3A_465, %add3A_552 : i32
          %select_n3A_554 = arith.select %and3A_551, %add3A_553, %while3A_465 : i32
          %get3A_555 = arith.index_cast %add3A_476 : i32 to index
          %get3A_556 = memref.load %arg5[%get3A_555] : memref<32xi32, #tpu.memory_space<smem>>
          %get3A_557 = arith.index_cast %add3A_476 : i32 to index
          %get3A_558 = memref.load %arg6[%get3A_557] : memref<32xi32, #tpu.memory_space<smem>>
          %get3A_559 = arith.index_cast %add3A_487 : i32 to index
          %get3A_560 = memref.load %arg5[%get3A_559] : memref<32xi32, #tpu.memory_space<smem>>
          %get3A_561 = arith.index_cast %add3A_487 : i32 to index
          %get3A_562 = memref.load %arg6[%get3A_561] : memref<32xi32, #tpu.memory_space<smem>>
          %ne3A_563 = arith.cmpi ne, %get3A_556, %get3A_560 : i32
          %ne3A_564 = arith.cmpi ne, %get3A_558, %get3A_562 : i32
          %or3A_565 = arith.constant false
          %or3A_566 = arith.ori %or3A_565, %ne3A_563 : i1
          %or3A_567 = arith.constant false
          %or3A_568 = arith.ori %or3A_566, %or3A_567 : i1
          %or3A_569 = arith.ori %or3A_568, %ne3A_564 : i1
          %or3A_570 = arith.constant false
          %or3A_571 = arith.ori %or3A_569, %or3A_570 : i1
          %or3A_572 = arith.ori %or3A_571, %eq3A_471 : i1
          %convert_element_type3A_573 = arith.extui %or3A_572 : i1 to i32
          %cond3A_574 = arith.constant 0 : i32
          %cond3A_575 = arith.cmpi ne, %convert_element_type3A_573, %cond3A_574 : i32
          scf.if %cond3A_575 {
            "tpu.trace_start"() <{level = 10 : i32, message = "ep_wait_in"}> : () -> ()
            %get3A_692 = arith.index_cast %add3A_476 : i32 to index
            %get3A_693 = memref.load %arg5[%get3A_692] : memref<32xi32, #tpu.memory_space<smem>>
            %get3A_694 = arith.index_cast %add3A_476 : i32 to index
            %get3A_695 = memref.load %arg6[%get3A_694] : memref<32xi32, #tpu.memory_space<smem>>
            %mul3A_696 = arith.constant 1 : i32
            %mul3A_697 = arith.muli %mul3A_696, %get3A_693 : i32
            %mul3A_698 = arith.constant 512 : i32
            %mul3A_699 = arith.muli %mul3A_698, %get3A_695 : i32
            %rem3A_700 = arith.constant 4 : i32
            %rem3A_701 = arith.remui %while3A_466, %rem3A_700 : i32
            %dma_wait3A = tpu.memref_slice %run_scoped3A_250[%rem3A_701] : memref<4x!tpu.dma_semaphore, #tpu.memory_space<semaphore_mem>> -> memref<1x!tpu.dma_semaphore, #tpu.memory_space<semaphore_mem>>
            %dma_wait3A_702 = tpu.memref_squeeze %dma_wait3A : memref<1x!tpu.dma_semaphore, #tpu.memory_space<semaphore_mem>> -> memref<!tpu.dma_semaphore, #tpu.memory_space<semaphore_mem>>
            %dma_wait3A_703 = arith.constant 0 : i32
            %dma_wait3A_704 = arith.constant 0 : i32
            %dma_wait3A_705 = arith.constant 0 : i32
            %dma_wait3A_706 = arith.constant 0 : i32
            %dma_wait3A_707 = tpu.memref_slice %run_scoped3A[%rem3A_701, %dma_wait3A_703, %dma_wait3A_704, %dma_wait3A_705, %dma_wait3A_706] : memref<4x1x1x512x1024xf32, #tpu.memory_space<vmem>> -> memref<1x1x1x512x1024xf32, #tpu.memory_space<vmem>>
            %dma_wait3A_708 = tpu.memref_squeeze %dma_wait3A_707 : memref<1x1x1x512x1024xf32, #tpu.memory_space<vmem>> -> memref<1x1x512x1024xf32, #tpu.memory_space<vmem>>
            %dma_wait3A_709 = arith.constant 3 : i32
            %dma_wait3A_710 = arith.constant 0 : i32
            %dma_wait3A_711 = tpu.memref_slice %arg3[%mul3A_697, %dma_wait3A_709, %mul3A_699, %dma_wait3A_710] : memref<8x4x2048x1024xf32, #tpu.memory_space<any>> -> memref<1x1x512x1024xf32, #tpu.memory_space<any>>
            tpu.wait_dma2 semaphore(%dma_wait3A_702 : memref<!tpu.dma_semaphore, #tpu.memory_space<semaphore_mem>>) src(%dma_wait3A_711 : memref<1x1x512x1024xf32, #tpu.memory_space<any>>) dst(%dma_wait3A_708 : memref<1x1x512x1024xf32, #tpu.memory_space<vmem>>)
            "tpu.trace_stop"() : () -> ()
          } else {
          }
          %rem3A_576 = arith.constant 4 : i32
          %rem3A_577 = arith.remui %while3A_466, %rem3A_576 : i32
          %eq3A_578 = arith.constant 0 : i32
          "tpu.trace_start"() <{level = 10 : i32, message = "ep_run_kernel"}> : () -> ()
          %eq3A_579 = arith.cmpi eq, %add3A_476, %eq3A_578 : i32
          %convert_element_type3A_580 = arith.extui %eq3A_579 : i1 to i32
          %cond3A_581 = arith.constant 0 : i32
          %cond3A_582 = arith.cmpi ne, %convert_element_type3A_580, %cond3A_581 : i32
          scf.if %cond3A_582 {
            %broadcast_in_dim3A = arith.constant 0.000000e+00 : f32
            %broadcast_in_dim3A_692 = vector.broadcast %broadcast_in_dim3A : f32 to vector<8x1x1024xf32>
            %swap3A_693 = arith.constant 0 : index
            %swap3A_694 = arith.constant 0 : index
            %swap3A_695 = arith.constant 0 : index
            %swap3A_696 = vector.load %arg4[%swap3A_693, %swap3A_694, %swap3A_695] : memref<8x1x1024xf32, #tpu.memory_space<vmem>>, vector<8x1x1024xf32>
            tpu.vector_store %arg4[%swap3A_693, %swap3A_694, %swap3A_695], %broadcast_in_dim3A_692 {strides = array<i32>} : memref<8x1x1024xf32, #tpu.memory_space<vmem>>, vector<8x1x1024xf32>,
          } else {
          }
          %get3A_583 = arith.index_cast %add3A_476 : i32 to index
          %get3A_584 = memref.load %arg5[%get3A_583] : memref<32xi32, #tpu.memory_space<smem>>
          %get3A_585 = arith.index_cast %add3A_476 : i32 to index
          %get3A_586 = memref.load %arg6[%get3A_585] : memref<32xi32, #tpu.memory_space<smem>>
          %mul3A_587 = arith.constant 512 : i32
          %mul3A_588 = arith.muli %get3A_586, %mul3A_587 : i32
          %get3A_589 = arith.index_cast %get3A_584 : i32 to index
          %get3A_590 = arith.index_cast %mul3A_588 : i32 to index
          %get3A_591 = vector.load %arg2[%get3A_589, %get3A_590] : memref<8x2048xf32, #tpu.memory_space<vmem>>, vector<1x512xf32>
          %get3A_592 = arith.index_cast %get3A_584 : i32 to index
          %get3A_593 = arith.constant 0 : index
          %get3A_594 = arith.constant 0 : index
          %get3A_595 = vector.load %arg4[%get3A_592, %get3A_593, %get3A_594] : memref<8x1x1024xf32, #tpu.memory_space<vmem>>, vector<1x1x1024xf32>
          %get3A_596 = vector.shape_cast %get3A_595 : vector<1x1x1024xf32> to vector<1x1024xf32>
          %get3A_597 = arith.constant 0 : i32
          %get3A_598 = arith.constant 0 : i32
          %get3A_599 = arith.constant 0 : i32
          %get3A_600 = arith.constant 0 : i32
          %get3A_601 = tpu.memref_slice %run_scoped3A[%rem3A_577, %get3A_597, %get3A_598, %get3A_599, %get3A_600] : memref<4x1x1x512x1024xf32, #tpu.memory_space<vmem>> -> memref<1x1x1x512x1024xf32, #tpu.memory_space<vmem>>
          %get3A_602 = tpu.memref_squeeze %get3A_601 : memref<1x1x1x512x1024xf32, #tpu.memory_space<vmem>> -> memref<1x1x512x1024xf32, #tpu.memory_space<vmem>>
          %get3A_603 = arith.constant 0 : index
          %get3A_604 = arith.constant 0 : index
          %get3A_605 = arith.constant 0 : index
          %get3A_606 = arith.constant 0 : index
          %get3A_607 = vector.load %get3A_602[%get3A_603, %get3A_604, %get3A_605, %get3A_606] : memref<1x1x512x1024xf32, #tpu.memory_space<vmem>>, vector<1x1x512x1024xf32>
          %get3A_608 = vector.shape_cast %get3A_607 : vector<1x1x512x1024xf32> to vector<512x1024xf32>
          %dot_general3A = arith.constant dense<0.000000e+00> : vector<1x1024xf32>
          %dot_general3A_609 = tpu.matmul %get3A_591, %get3A_608, %dot_general3A {dimension_numbers = #tpu.dot_dimension_numbers<[1], [0], [0], [1], [0, 0, 1, 1], [], []>, transpose_lhs_hint = false} : vector<1x512xf32>, vector<512x1024xf32>, vector<1x1024xf32> -> vector<1x1024xf32>
          %add3A_610 = arith.addf %get3A_596, %dot_general3A_609 : vector<1x1024xf32>
          %swap3A = arith.index_cast %get3A_584 : i32 to index
          %swap3A_611 = arith.constant 0 : index
          %swap3A_612 = arith.constant 0 : index
          %swap3A_613 = vector.load %arg4[%swap3A, %swap3A_611, %swap3A_612] : memref<8x1x1024xf32, #tpu.memory_space<vmem>>, vector<1x1x1024xf32>
          %swap3A_614 = vector.shape_cast %swap3A_613 : vector<1x1x1024xf32> to vector<1x1024xf32>
          %swap3A_615 = vector.shape_cast %add3A_610 : vector<1x1024xf32> to vector<1x1x1024xf32>
          tpu.vector_store %arg4[%swap3A, %swap3A_611, %swap3A_612], %swap3A_615 {strides = array<i32>} : memref<8x1x1024xf32, #tpu.memory_space<vmem>>, vector<1x1x1024xf32>,
          "tpu.trace_stop"() : () -> ()
          %get3A_616 = arith.index_cast %add3A_476 : i32 to index
          %get3A_617 = memref.load %arg5[%get3A_616] : memref<32xi32, #tpu.memory_space<smem>>
          %get3A_618 = arith.index_cast %add3A_476 : i32 to index
          %get3A_619 = memref.load %arg6[%get3A_618] : memref<32xi32, #tpu.memory_space<smem>>
          %get3A_620 = arith.index_cast %add3A_496 : i32 to index
          %get3A_621 = memref.load %arg5[%get3A_620] : memref<32xi32, #tpu.memory_space<smem>>
          %get3A_622 = arith.index_cast %add3A_496 : i32 to index
          %get3A_623 = memref.load %arg6[%get3A_622] : memref<32xi32, #tpu.memory_space<smem>>
          %ne3A_624 = arith.cmpi ne, %get3A_617, %get3A_621 : i32
          %ne3A_625 = arith.cmpi ne, %get3A_619, %get3A_623 : i32
          %or3A_626 = arith.constant false
          %or3A_627 = arith.ori %or3A_626, %ne3A_624 : i1
          %or3A_628 = arith.constant false
          %or3A_629 = arith.ori %or3A_627, %or3A_628 : i1
          %or3A_630 = arith.ori %or3A_629, %ne3A_625 : i1
          %or3A_631 = arith.constant false
          %or3A_632 = arith.ori %or3A_630, %or3A_631 : i1
          %or3A_633 = arith.ori %or3A_632, %eq3A_474 : i1
          %convert_element_type3A_634 = arith.extui %or3A_633 : i1 to i32
          %cond3A_635 = arith.constant 0 : i32
          %cond3A_636 = arith.cmpi ne, %convert_element_type3A_634, %cond3A_635 : i32
          scf.if %cond3A_636 {
          } else {
          }
          %and3A_637 = arith.constant false
          %and3A_638 = arith.andi %or3A_633, %and3A_637 : i1
          %get3A_639 = arith.index_cast %add3A_476 : i32 to index
          %get3A_640 = memref.load %arg5[%get3A_639] : memref<32xi32, #tpu.memory_space<smem>>
          %get3A_641 = arith.index_cast %add3A_476 : i32 to index
          %get3A_642 = memref.load %arg6[%get3A_641] : memref<32xi32, #tpu.memory_space<smem>>
          %get3A_643 = arith.index_cast %add3A_487 : i32 to index
          %get3A_644 = memref.load %arg5[%get3A_643] : memref<32xi32, #tpu.memory_space<smem>>
          %get3A_645 = arith.index_cast %add3A_487 : i32 to index
          %get3A_646 = memref.load %arg6[%get3A_645] : memref<32xi32, #tpu.memory_space<smem>>
          %ne3A_647 = arith.cmpi ne, %get3A_640, %get3A_644 : i32
          %ne3A_648 = arith.cmpi ne, %get3A_642, %get3A_646 : i32
          %or3A_649 = arith.constant false
          %or3A_650 = arith.ori %or3A_649, %ne3A_647 : i1
          %or3A_651 = arith.constant false
          %or3A_652 = arith.ori %or3A_650, %or3A_651 : i1
          %or3A_653 = arith.ori %or3A_652, %ne3A_648 : i1
          %or3A_654 = arith.constant false
          %or3A_655 = arith.ori %or3A_653, %or3A_654 : i1
          %not3A_656 = arith.constant true
          %not3A_657 = arith.xori %eq3A_471, %not3A_656 : i1
          %and3A_658 = arith.andi %or3A_655, %not3A_657 : i1
          %convert_element_type3A_659 = arith.extui %and3A_658 : i1 to i32
          %cond3A_660 = arith.constant 0 : i32
          %cond3A_661 = arith.cmpi ne, %convert_element_type3A_659, %cond3A_660 : i32
          scf.if %cond3A_661 {
          } else {
          }
          %and3A_662 = arith.constant false
          %and3A_663 = arith.andi %and3A_658, %and3A_662 : i1
          %get3A_664 = arith.index_cast %add3A_476 : i32 to index
          %get3A_665 = memref.load %arg5[%get3A_664] : memref<32xi32, #tpu.memory_space<smem>>
          %get3A_666 = arith.index_cast %add3A_476 : i32 to index
          %get3A_667 = memref.load %arg6[%get3A_666] : memref<32xi32, #tpu.memory_space<smem>>
          %get3A_668 = arith.index_cast %add3A_496 : i32 to index
          %get3A_669 = memref.load %arg5[%get3A_668] : memref<32xi32, #tpu.memory_space<smem>>
          %get3A_670 = arith.index_cast %add3A_496 : i32 to index
          %get3A_671 = memref.load %arg6[%get3A_670] : memref<32xi32, #tpu.memory_space<smem>>
          %ne3A_672 = arith.cmpi ne, %get3A_665, %get3A_669 : i32
          %ne3A_673 = arith.cmpi ne, %get3A_667, %get3A_671 : i32
          %or3A_674 = arith.constant false
          %or3A_675 = arith.ori %or3A_674, %ne3A_672 : i1
          %or3A_676 = arith.constant false
          %or3A_677 = arith.ori %or3A_675, %or3A_676 : i1
          %or3A_678 = arith.ori %or3A_677, %ne3A_673 : i1
          %or3A_679 = arith.constant false
          %or3A_680 = arith.ori %or3A_678, %or3A_679 : i1
          %or3A_681 = arith.ori %or3A_680, %eq3A_474 : i1
          %add3A_682 = arith.constant 1 : i32
          %add3A_683 = arith.addi %while3A_466, %add3A_682 : i32
          %select_n3A_684 = arith.select %or3A_681, %add3A_683, %while3A_466 : i32
          %add3A_685 = arith.constant 1 : i32
          %add3A_686 = arith.addi %while3A_467, %add3A_685 : i32
          %select_n3A_687 = arith.constant true
          %select_n3A_688 = arith.select %select_n3A_687, %add3A_686, %while3A_467 : i32
          %eq3A_689 = arith.cmpi eq, %select_n3A_688, %add3A_236 : i32
          %select_n3A_690 = arith.constant 0 : i32
          %select_n3A_691 = arith.select %eq3A_689, %select_n3A_690, %select_n3A_688 : i32
          scf.yield %select_n3A_554, %select_n3A_684, %select_n3A_691 : i32, i32, i32
        }
        %while3A_392 = arith.constant 1 : i32
        %while3A_393:3 = scf.for %while3A_464 = %while3A_389 to %while3A_385 step %while3A_392 iter_args(%while3A_465 = %while3A_391#0, %while3A_466 = %while3A_391#1, %while3A_467 = %while3A_391#2) -> (i32, i32, i32)  : i32 {
          %mul3A_468 = arith.constant 1 : i32
          %mul3A_469 = arith.muli %mul3A_468, %add3A_236 : i32
          %eq3A_470 = arith.constant 0 : i32
          %eq3A_471 = arith.cmpi eq, %while3A_464, %eq3A_470 : i32
          %sub3A_472 = arith.constant 1 : i32
          %sub3A_473 = arith.subi %mul3A_469, %sub3A_472 : i32
          %eq3A_474 = arith.cmpi eq, %while3A_464, %sub3A_473 : i32
          %add3A_475 = arith.constant 0 : i32
          %add3A_476 = arith.addi %while3A_467, %add3A_475 : i32
          %sub3A_477 = arith.constant 1 : i32
          %sub3A_478 = arith.subi %while3A_467, %sub3A_477 : i32
          %select_n3A_479 = arith.constant true
          %select_n3A_480 = arith.select %select_n3A_479, %sub3A_478, %while3A_467 : i32
          %eq3A_481 = arith.constant -1 : i32
          %eq3A_482 = arith.cmpi eq, %select_n3A_480, %eq3A_481 : i32
          %sub3A_483 = arith.constant 1 : i32
          %sub3A_484 = arith.subi %add3A_236, %sub3A_483 : i32
          %select_n3A_485 = arith.select %eq3A_482, %sub3A_484, %select_n3A_480 : i32
          %add3A_486 = arith.constant 0 : i32
          %add3A_487 = arith.addi %select_n3A_485, %add3A_486 : i32
          %add3A_488 = arith.constant 1 : i32
          %add3A_489 = arith.addi %while3A_467, %add3A_488 : i32
          %select_n3A_490 = arith.constant true
          %select_n3A_491 = arith.select %select_n3A_490, %add3A_489, %while3A_467 : i32
          %eq3A_492 = arith.cmpi eq, %select_n3A_491, %add3A_236 : i32
          %select_n3A_493 = arith.constant 0 : i32
          %select_n3A_494 = arith.select %eq3A_492, %select_n3A_493, %select_n3A_491 : i32
          %add3A_495 = arith.constant 0 : i32
          %add3A_496 = arith.addi %select_n3A_494, %add3A_495 : i32
          %add3A_497 = arith.constant 1 : i32
          %add3A_498 = arith.addi %select_n3A_494, %add3A_497 : i32
          %select_n3A_499 = arith.constant true
          %select_n3A_500 = arith.select %select_n3A_499, %add3A_498, %select_n3A_494 : i32
          %eq3A_501 = arith.cmpi eq, %select_n3A_500, %add3A_236 : i32
          %select_n3A_502 = arith.constant 0 : i32
          %select_n3A_503 = arith.select %eq3A_501, %select_n3A_502, %select_n3A_500 : i32
          %add3A_504 = arith.constant 0 : i32
          %add3A_505 = arith.addi %select_n3A_503, %add3A_504 : i32
          %add3A_506 = arith.constant 1 : i32
          %add3A_507 = arith.addi %select_n3A_503, %add3A_506 : i32
          %select_n3A_508 = arith.constant true
          %select_n3A_509 = arith.select %select_n3A_508, %add3A_507, %select_n3A_503 : i32
          %eq3A_510 = arith.cmpi eq, %select_n3A_509, %add3A_236 : i32
          %select_n3A_511 = arith.constant 0 : i32
          %select_n3A_512 = arith.select %eq3A_510, %select_n3A_511, %select_n3A_509 : i32
          %add3A_513 = arith.constant 0 : i32
          %add3A_514 = arith.addi %select_n3A_512, %add3A_513 : i32
          %add3A_515 = arith.constant 1 : i32
          %add3A_516 = arith.addi %select_n3A_512, %add3A_515 : i32
          %select_n3A_517 = arith.constant true
          %select_n3A_518 = arith.select %select_n3A_517, %add3A_516, %select_n3A_512 : i32
          %eq3A_519 = arith.cmpi eq, %select_n3A_518, %add3A_236 : i32
          %select_n3A_520 = arith.constant 0 : i32
          %select_n3A_521 = arith.select %eq3A_519, %select_n3A_520, %select_n3A_518 : i32
          %add3A_522 = arith.constant 0 : i32
          %add3A_523 = arith.addi %select_n3A_521, %add3A_522 : i32
          %get3A_524 = arith.index_cast %add3A_505 : i32 to index
          %get3A_525 = memref.load %arg5[%get3A_524] : memref<32xi32, #tpu.memory_space<smem>>
          %get3A_526 = arith.index_cast %add3A_505 : i32 to index
          %get3A_527 = memref.load %arg6[%get3A_526] : memref<32xi32, #tpu.memory_space<smem>>
          %get3A_528 = arith.index_cast %add3A_514 : i32 to index
          %get3A_529 = memref.load %arg5[%get3A_528] : memref<32xi32, #tpu.memory_space<smem>>
          %get3A_530 = arith.index_cast %add3A_514 : i32 to index
          %get3A_531 = memref.load %arg6[%get3A_530] : memref<32xi32, #tpu.memory_space<smem>>
          %ne3A_532 = arith.cmpi ne, %get3A_525, %get3A_529 : i32
          %ne3A_533 = arith.cmpi ne, %get3A_527, %get3A_531 : i32
          %or3A_534 = arith.constant false
          %or3A_535 = arith.ori %or3A_534, %ne3A_532 : i1
          %or3A_536 = arith.constant false
          %or3A_537 = arith.ori %or3A_535, %or3A_536 : i1
          %or3A_538 = arith.ori %or3A_537, %ne3A_533 : i1
          %or3A_539 = arith.constant false
          %or3A_540 = arith.ori %or3A_538, %or3A_539 : i1
          %sub3A_541 = arith.constant 4 : i32
          %sub3A_542 = arith.subi %mul3A_469, %sub3A_541 : i32
          %add3A_543 = arith.constant 1 : i32
          %add3A_544 = arith.addi %sub3A_542, %add3A_543 : i32
          %ge3A = arith.cmpi sge, %while3A_464, %add3A_544 : i32
          %not3A = arith.constant true
          %not3A_545 = arith.xori %ge3A, %not3A : i1
          %and3A_546 = arith.andi %or3A_540, %not3A_545 : i1
          %convert_element_type3A_547 = arith.extui %and3A_546 : i1 to i32
          %cond3A_548 = arith.constant 0 : i32
          %cond3A_549 = arith.cmpi ne, %convert_element_type3A_547, %cond3A_548 : i32
          scf.if %cond3A_549 {
            "tpu.trace_start"() <{level = 10 : i32, message = "ep_copy_in"}> : () -> ()
            %rem3A_692 = arith.constant 4 : i32
            %rem3A_693 = arith.remui %while3A_465, %rem3A_692 : i32
            %get3A_694 = arith.index_cast %add3A_514 : i32 to index
            %get3A_695 = memref.load %arg5[%get3A_694] : memref<32xi32, #tpu.memory_space<smem>>
            %get3A_696 = arith.index_cast %add3A_514 : i32 to index
            %get3A_697 = memref.load %arg6[%get3A_696] : memref<32xi32, #tpu.memory_space<smem>>
            %mul3A_698 = arith.constant 1 : i32
            %mul3A_699 = arith.muli %mul3A_698, %get3A_695 : i32
            %mul3A_700 = arith.constant 512 : i32
            %mul3A_701 = arith.muli %mul3A_700, %get3A_697 : i32
            %dma_start3A_702 = tpu.memref_slice %run_scoped3A_250[%rem3A_693] : memref<4x!tpu.dma_semaphore, #tpu.memory_space<semaphore_mem>> -> memref<1x!tpu.dma_semaphore, #tpu.memory_space<semaphore_mem>>
            %dma_start3A_703 = tpu.memref_squeeze %dma_start3A_702 : memref<1x!tpu.dma_semaphore, #tpu.memory_space<semaphore_mem>> -> memref<!tpu.dma_semaphore, #tpu.memory_space<semaphore_mem>>
            %dma_start3A_704 = arith.constant 0 : i32
            %dma_start3A_705 = arith.constant 0 : i32
            %dma_start3A_706 = arith.constant 0 : i32
            %dma_start3A_707 = arith.constant 0 : i32
            %dma_start3A_708 = tpu.memref_slice %run_scoped3A[%rem3A_693, %dma_start3A_704, %dma_start3A_705, %dma_start3A_706, %dma_start3A_707] : memref<4x1x1x512x1024xf32, #tpu.memory_space<vmem>> -> memref<1x1x1x512x1024xf32, #tpu.memory_space<vmem>>
            %dma_start3A_709 = tpu.memref_squeeze %dma_start3A_708 : memref<1x1x1x512x1024xf32, #tpu.memory_space<vmem>> -> memref<1x1x512x1024xf32, #tpu.memory_space<vmem>>
            %dma_start3A_710 = arith.constant 3 : i32
            %dma_start3A_711 = arith.constant 0 : i32
            %dma_start3A_712 = tpu.memref_slice %arg3[%mul3A_699, %dma_start3A_710, %mul3A_701, %dma_start3A_711] : memref<8x4x2048x1024xf32, #tpu.memory_space<any>> -> memref<1x1x512x1024xf32, #tpu.memory_space<any>>
            tpu.enqueue_dma source(%dma_start3A_712 : memref<1x1x512x1024xf32, #tpu.memory_space<any>>) target(%dma_start3A_709 : memref<1x1x512x1024xf32, #tpu.memory_space<vmem>>) target_semaphore(%dma_start3A_703 : memref<!tpu.dma_semaphore, #tpu.memory_space<semaphore_mem>>)
            "tpu.trace_stop"() : () -> ()
          } else {
          }
          %and3A_550 = arith.constant true
          %and3A_551 = arith.andi %and3A_546, %and3A_550 : i1
          %add3A_552 = arith.constant 1 : i32
          %add3A_553 = arith.addi %while3A_465, %add3A_552 : i32
          %select_n3A_554 = arith.select %and3A_551, %add3A_553, %while3A_465 : i32
          %get3A_555 = arith.index_cast %add3A_476 : i32 to index
          %get3A_556 = memref.load %arg5[%get3A_555] : memref<32xi32, #tpu.memory_space<smem>>
          %get3A_557 = arith.index_cast %add3A_476 : i32 to index
          %get3A_558 = memref.load %arg6[%get3A_557] : memref<32xi32, #tpu.memory_space<smem>>
          %get3A_559 = arith.index_cast %add3A_487 : i32 to index
          %get3A_560 = memref.load %arg5[%get3A_559] : memref<32xi32, #tpu.memory_space<smem>>
          %get3A_561 = arith.index_cast %add3A_487 : i32 to index
          %get3A_562 = memref.load %arg6[%get3A_561] : memref<32xi32, #tpu.memory_space<smem>>
          %ne3A_563 = arith.cmpi ne, %get3A_556, %get3A_560 : i32
          %ne3A_564 = arith.cmpi ne, %get3A_558, %get3A_562 : i32
          %or3A_565 = arith.constant false
          %or3A_566 = arith.ori %or3A_565, %ne3A_563 : i1
          %or3A_567 = arith.constant false
          %or3A_568 = arith.ori %or3A_566, %or3A_567 : i1
          %or3A_569 = arith.ori %or3A_568, %ne3A_564 : i1
          %or3A_570 = arith.constant false
          %or3A_571 = arith.ori %or3A_569, %or3A_570 : i1
          %or3A_572 = arith.ori %or3A_571, %eq3A_471 : i1
          %convert_element_type3A_573 = arith.extui %or3A_572 : i1 to i32
          %cond3A_574 = arith.constant 0 : i32
          %cond3A_575 = arith.cmpi ne, %convert_element_type3A_573, %cond3A_574 : i32
          scf.if %cond3A_575 {
            "tpu.trace_start"() <{level = 10 : i32, message = "ep_wait_in"}> : () -> ()
            %get3A_692 = arith.index_cast %add3A_476 : i32 to index
            %get3A_693 = memref.load %arg5[%get3A_692] : memref<32xi32, #tpu.memory_space<smem>>
            %get3A_694 = arith.index_cast %add3A_476 : i32 to index
            %get3A_695 = memref.load %arg6[%get3A_694] : memref<32xi32, #tpu.memory_space<smem>>
            %mul3A_696 = arith.constant 1 : i32
            %mul3A_697 = arith.muli %mul3A_696, %get3A_693 : i32
            %mul3A_698 = arith.constant 512 : i32
            %mul3A_699 = arith.muli %mul3A_698, %get3A_695 : i32
            %rem3A_700 = arith.constant 4 : i32
            %rem3A_701 = arith.remui %while3A_466, %rem3A_700 : i32
            %dma_wait3A = tpu.memref_slice %run_scoped3A_250[%rem3A_701] : memref<4x!tpu.dma_semaphore, #tpu.memory_space<semaphore_mem>> -> memref<1x!tpu.dma_semaphore, #tpu.memory_space<semaphore_mem>>
            %dma_wait3A_702 = tpu.memref_squeeze %dma_wait3A : memref<1x!tpu.dma_semaphore, #tpu.memory_space<semaphore_mem>> -> memref<!tpu.dma_semaphore, #tpu.memory_space<semaphore_mem>>
            %dma_wait3A_703 = arith.constant 0 : i32
            %dma_wait3A_704 = arith.constant 0 : i32
            %dma_wait3A_705 = arith.constant 0 : i32
            %dma_wait3A_706 = arith.constant 0 : i32
            %dma_wait3A_707 = tpu.memref_slice %run_scoped3A[%rem3A_701, %dma_wait3A_703, %dma_wait3A_704, %dma_wait3A_705, %dma_wait3A_706] : memref<4x1x1x512x1024xf32, #tpu.memory_space<vmem>> -> memref<1x1x1x512x1024xf32, #tpu.memory_space<vmem>>
            %dma_wait3A_708 = tpu.memref_squeeze %dma_wait3A_707 : memref<1x1x1x512x1024xf32, #tpu.memory_space<vmem>> -> memref<1x1x512x1024xf32, #tpu.memory_space<vmem>>
            %dma_wait3A_709 = arith.constant 3 : i32
            %dma_wait3A_710 = arith.constant 0 : i32
            %dma_wait3A_711 = tpu.memref_slice %arg3[%mul3A_697, %dma_wait3A_709, %mul3A_699, %dma_wait3A_710] : memref<8x4x2048x1024xf32, #tpu.memory_space<any>> -> memref<1x1x512x1024xf32, #tpu.memory_space<any>>
            tpu.wait_dma2 semaphore(%dma_wait3A_702 : memref<!tpu.dma_semaphore, #tpu.memory_space<semaphore_mem>>) src(%dma_wait3A_711 : memref<1x1x512x1024xf32, #tpu.memory_space<any>>) dst(%dma_wait3A_708 : memref<1x1x512x1024xf32, #tpu.memory_space<vmem>>)
            "tpu.trace_stop"() : () -> ()
          } else {
          }
          %rem3A_576 = arith.constant 4 : i32
          %rem3A_577 = arith.remui %while3A_466, %rem3A_576 : i32
          %eq3A_578 = arith.constant 0 : i32
          "tpu.trace_start"() <{level = 10 : i32, message = "ep_run_kernel"}> : () -> ()
          %eq3A_579 = arith.cmpi eq, %add3A_476, %eq3A_578 : i32
          %convert_element_type3A_580 = arith.extui %eq3A_579 : i1 to i32
          %cond3A_581 = arith.constant 0 : i32
          %cond3A_582 = arith.cmpi ne, %convert_element_type3A_580, %cond3A_581 : i32
          scf.if %cond3A_582 {
            %broadcast_in_dim3A = arith.constant 0.000000e+00 : f32
            %broadcast_in_dim3A_692 = vector.broadcast %broadcast_in_dim3A : f32 to vector<8x1x1024xf32>
            %swap3A_693 = arith.constant 0 : index
            %swap3A_694 = arith.constant 0 : index
            %swap3A_695 = arith.constant 0 : index
            %swap3A_696 = vector.load %arg4[%swap3A_693, %swap3A_694, %swap3A_695] : memref<8x1x1024xf32, #tpu.memory_space<vmem>>, vector<8x1x1024xf32>
            tpu.vector_store %arg4[%swap3A_693, %swap3A_694, %swap3A_695], %broadcast_in_dim3A_692 {strides = array<i32>} : memref<8x1x1024xf32, #tpu.memory_space<vmem>>, vector<8x1x1024xf32>,
          } else {
          }
          %get3A_583 = arith.index_cast %add3A_476 : i32 to index
          %get3A_584 = memref.load %arg5[%get3A_583] : memref<32xi32, #tpu.memory_space<smem>>
          %get3A_585 = arith.index_cast %add3A_476 : i32 to index
          %get3A_586 = memref.load %arg6[%get3A_585] : memref<32xi32, #tpu.memory_space<smem>>
          %mul3A_587 = arith.constant 512 : i32
          %mul3A_588 = arith.muli %get3A_586, %mul3A_587 : i32
          %get3A_589 = arith.index_cast %get3A_584 : i32 to index
          %get3A_590 = arith.index_cast %mul3A_588 : i32 to index
          %get3A_591 = vector.load %arg2[%get3A_589, %get3A_590] : memref<8x2048xf32, #tpu.memory_space<vmem>>, vector<1x512xf32>
          %get3A_592 = arith.index_cast %get3A_584 : i32 to index
          %get3A_593 = arith.constant 0 : index
          %get3A_594 = arith.constant 0 : index
          %get3A_595 = vector.load %arg4[%get3A_592, %get3A_593, %get3A_594] : memref<8x1x1024xf32, #tpu.memory_space<vmem>>, vector<1x1x1024xf32>
          %get3A_596 = vector.shape_cast %get3A_595 : vector<1x1x1024xf32> to vector<1x1024xf32>
          %get3A_597 = arith.constant 0 : i32
          %get3A_598 = arith.constant 0 : i32
          %get3A_599 = arith.constant 0 : i32
          %get3A_600 = arith.constant 0 : i32
          %get3A_601 = tpu.memref_slice %run_scoped3A[%rem3A_577, %get3A_597, %get3A_598, %get3A_599, %get3A_600] : memref<4x1x1x512x1024xf32, #tpu.memory_space<vmem>> -> memref<1x1x1x512x1024xf32, #tpu.memory_space<vmem>>
          %get3A_602 = tpu.memref_squeeze %get3A_601 : memref<1x1x1x512x1024xf32, #tpu.memory_space<vmem>> -> memref<1x1x512x1024xf32, #tpu.memory_space<vmem>>
          %get3A_603 = arith.constant 0 : index
          %get3A_604 = arith.constant 0 : index
          %get3A_605 = arith.constant 0 : index
          %get3A_606 = arith.constant 0 : index
          %get3A_607 = vector.load %get3A_602[%get3A_603, %get3A_604, %get3A_605, %get3A_606] : memref<1x1x512x1024xf32, #tpu.memory_space<vmem>>, vector<1x1x512x1024xf32>
          %get3A_608 = vector.shape_cast %get3A_607 : vector<1x1x512x1024xf32> to vector<512x1024xf32>
          %dot_general3A = arith.constant dense<0.000000e+00> : vector<1x1024xf32>
          %dot_general3A_609 = tpu.matmul %get3A_591, %get3A_608, %dot_general3A {dimension_numbers = #tpu.dot_dimension_numbers<[1], [0], [0], [1], [0, 0, 1, 1], [], []>, transpose_lhs_hint = false} : vector<1x512xf32>, vector<512x1024xf32>, vector<1x1024xf32> -> vector<1x1024xf32>
          %add3A_610 = arith.addf %get3A_596, %dot_general3A_609 : vector<1x1024xf32>
          %swap3A = arith.index_cast %get3A_584 : i32 to index
          %swap3A_611 = arith.constant 0 : index
          %swap3A_612 = arith.constant 0 : index
          %swap3A_613 = vector.load %arg4[%swap3A, %swap3A_611, %swap3A_612] : memref<8x1x1024xf32, #tpu.memory_space<vmem>>, vector<1x1x1024xf32>
          %swap3A_614 = vector.shape_cast %swap3A_613 : vector<1x1x1024xf32> to vector<1x1024xf32>
          %swap3A_615 = vector.shape_cast %add3A_610 : vector<1x1024xf32> to vector<1x1x1024xf32>
          tpu.vector_store %arg4[%swap3A, %swap3A_611, %swap3A_612], %swap3A_615 {strides = array<i32>} : memref<8x1x1024xf32, #tpu.memory_space<vmem>>, vector<1x1x1024xf32>,
          "tpu.trace_stop"() : () -> ()
          %get3A_616 = arith.index_cast %add3A_476 : i32 to index
          %get3A_617 = memref.load %arg5[%get3A_616] : memref<32xi32, #tpu.memory_space<smem>>
          %get3A_618 = arith.index_cast %add3A_476 : i32 to index
          %get3A_619 = memref.load %arg6[%get3A_618] : memref<32xi32, #tpu.memory_space<smem>>
          %get3A_620 = arith.index_cast %add3A_496 : i32 to index
          %get3A_621 = memref.load %arg5[%get3A_620] : memref<32xi32, #tpu.memory_space<smem>>
          %get3A_622 = arith.index_cast %add3A_496 : i32 to index
          %get3A_623 = memref.load %arg6[%get3A_622] : memref<32xi32, #tpu.memory_space<smem>>
          %ne3A_624 = arith.cmpi ne, %get3A_617, %get3A_621 : i32
          %ne3A_625 = arith.cmpi ne, %get3A_619, %get3A_623 : i32
          %or3A_626 = arith.constant false
          %or3A_627 = arith.ori %or3A_626, %ne3A_624 : i1
          %or3A_628 = arith.constant false
          %or3A_629 = arith.ori %or3A_627, %or3A_628 : i1
          %or3A_630 = arith.ori %or3A_629, %ne3A_625 : i1
          %or3A_631 = arith.constant false
          %or3A_632 = arith.ori %or3A_630, %or3A_631 : i1
          %or3A_633 = arith.ori %or3A_632, %eq3A_474 : i1
          %convert_element_type3A_634 = arith.extui %or3A_633 : i1 to i32
          %cond3A_635 = arith.constant 0 : i32
          %cond3A_636 = arith.cmpi ne, %convert_element_type3A_634, %cond3A_635 : i32
          scf.if %cond3A_636 {
          } else {
          }
          %and3A_637 = arith.constant false
          %and3A_638 = arith.andi %or3A_633, %and3A_637 : i1
          %get3A_639 = arith.index_cast %add3A_476 : i32 to index
          %get3A_640 = memref.load %arg5[%get3A_639] : memref<32xi32, #tpu.memory_space<smem>>
          %get3A_641 = arith.index_cast %add3A_476 : i32 to index
          %get3A_642 = memref.load %arg6[%get3A_641] : memref<32xi32, #tpu.memory_space<smem>>
          %get3A_643 = arith.index_cast %add3A_487 : i32 to index
          %get3A_644 = memref.load %arg5[%get3A_643] : memref<32xi32, #tpu.memory_space<smem>>
          %get3A_645 = arith.index_cast %add3A_487 : i32 to index
          %get3A_646 = memref.load %arg6[%get3A_645] : memref<32xi32, #tpu.memory_space<smem>>
          %ne3A_647 = arith.cmpi ne, %get3A_640, %get3A_644 : i32
          %ne3A_648 = arith.cmpi ne, %get3A_642, %get3A_646 : i32
          %or3A_649 = arith.constant false
          %or3A_650 = arith.ori %or3A_649, %ne3A_647 : i1
          %or3A_651 = arith.constant false
          %or3A_652 = arith.ori %or3A_650, %or3A_651 : i1
          %or3A_653 = arith.ori %or3A_652, %ne3A_648 : i1
          %or3A_654 = arith.constant false
          %or3A_655 = arith.ori %or3A_653, %or3A_654 : i1
          %not3A_656 = arith.constant true
          %not3A_657 = arith.xori %eq3A_471, %not3A_656 : i1
          %and3A_658 = arith.andi %or3A_655, %not3A_657 : i1
          %convert_element_type3A_659 = arith.extui %and3A_658 : i1 to i32
          %cond3A_660 = arith.constant 0 : i32
          %cond3A_661 = arith.cmpi ne, %convert_element_type3A_659, %cond3A_660 : i32
          scf.if %cond3A_661 {
          } else {
          }
          %and3A_662 = arith.constant false
          %and3A_663 = arith.andi %and3A_658, %and3A_662 : i1
          %get3A_664 = arith.index_cast %add3A_476 : i32 to index
          %get3A_665 = memref.load %arg5[%get3A_664] : memref<32xi32, #tpu.memory_space<smem>>
          %get3A_666 = arith.index_cast %add3A_476 : i32 to index
          %get3A_667 = memref.load %arg6[%get3A_666] : memref<32xi32, #tpu.memory_space<smem>>
          %get3A_668 = arith.index_cast %add3A_496 : i32 to index
          %get3A_669 = memref.load %arg5[%get3A_668] : memref<32xi32, #tpu.memory_space<smem>>
          %get3A_670 = arith.index_cast %add3A_496 : i32 to index
          %get3A_671 = memref.load %arg6[%get3A_670] : memref<32xi32, #tpu.memory_space<smem>>
          %ne3A_672 = arith.cmpi ne, %get3A_665, %get3A_669 : i32
          %ne3A_673 = arith.cmpi ne, %get3A_667, %get3A_671 : i32
          %or3A_674 = arith.constant false
          %or3A_675 = arith.ori %or3A_674, %ne3A_672 : i1
          %or3A_676 = arith.constant false
          %or3A_677 = arith.ori %or3A_675, %or3A_676 : i1
          %or3A_678 = arith.ori %or3A_677, %ne3A_673 : i1
          %or3A_679 = arith.constant false
          %or3A_680 = arith.ori %or3A_678, %or3A_679 : i1
          %or3A_681 = arith.ori %or3A_680, %eq3A_474 : i1
          %add3A_682 = arith.constant 1 : i32
          %add3A_683 = arith.addi %while3A_466, %add3A_682 : i32
          %select_n3A_684 = arith.select %or3A_681, %add3A_683, %while3A_466 : i32
          %add3A_685 = arith.constant 1 : i32
          %add3A_686 = arith.addi %while3A_467, %add3A_685 : i32
          %select_n3A_687 = arith.constant true
          %select_n3A_688 = arith.select %select_n3A_687, %add3A_686, %while3A_467 : i32
          %eq3A_689 = arith.cmpi eq, %select_n3A_688, %add3A_236 : i32
          %select_n3A_690 = arith.constant 0 : i32
          %select_n3A_691 = arith.select %eq3A_689, %select_n3A_690, %select_n3A_688 : i32
          scf.yield %select_n3A_554, %select_n3A_684, %select_n3A_691 : i32, i32, i32
        }
        %sub3A_394 = arith.constant 1 : i32
        %sub3A_395 = arith.subi %while3A_393#2, %sub3A_394 : i32
        %select_n3A_396 = arith.constant true
        %select_n3A_397 = arith.select %select_n3A_396, %sub3A_395, %while3A_393#2 : i32
        %eq3A_398 = arith.constant -1 : i32
        %eq3A_399 = arith.cmpi eq, %select_n3A_397, %eq3A_398 : i32
        %sub3A_400 = arith.constant 1 : i32
        %sub3A_401 = arith.subi %add3A_236, %sub3A_400 : i32
        %select_n3A_402 = arith.select %eq3A_399, %sub3A_401, %select_n3A_397 : i32
        %sub3A_403 = arith.constant 1 : i32
        %sub3A_404 = arith.subi %mul3A_249, %sub3A_403 : i32
        %mul3A_405 = arith.constant 1 : i32
        %mul3A_406 = arith.muli %mul3A_405, %add3A_236 : i32
        %eq3A_407 = arith.constant 0 : i32
        %eq3A_408 = arith.cmpi eq, %sub3A_404, %eq3A_407 : i32
        %sub3A_409 = arith.constant 1 : i32
        %sub3A_410 = arith.subi %mul3A_406, %sub3A_409 : i32
        %eq3A_411 = arith.cmpi eq, %sub3A_404, %sub3A_410 : i32
        %add3A_412 = arith.constant 0 : i32
        %add3A_413 = arith.addi %select_n3A_402, %add3A_412 : i32
        %sub3A_414 = arith.constant 1 : i32
        %sub3A_415 = arith.subi %select_n3A_402, %sub3A_414 : i32
        %select_n3A_416 = arith.constant true
        %select_n3A_417 = arith.select %select_n3A_416, %sub3A_415, %select_n3A_402 : i32
        %eq3A_418 = arith.constant -1 : i32
        %eq3A_419 = arith.cmpi eq, %select_n3A_417, %eq3A_418 : i32
        %sub3A_420 = arith.constant 1 : i32
        %sub3A_421 = arith.subi %add3A_236, %sub3A_420 : i32
        %select_n3A_422 = arith.select %eq3A_419, %sub3A_421, %select_n3A_417 : i32
        %add3A_423 = arith.constant 0 : i32
        %add3A_424 = arith.addi %select_n3A_422, %add3A_423 : i32
        %add3A_425 = arith.constant 1 : i32
        %add3A_426 = arith.addi %select_n3A_402, %add3A_425 : i32
        %select_n3A_427 = arith.constant true
        %select_n3A_428 = arith.select %select_n3A_427, %add3A_426, %select_n3A_402 : i32
        %eq3A_429 = arith.cmpi eq, %select_n3A_428, %add3A_236 : i32
        %select_n3A_430 = arith.constant 0 : i32
        %select_n3A_431 = arith.select %eq3A_429, %select_n3A_430, %select_n3A_428 : i32
        %add3A_432 = arith.constant 0 : i32
        %add3A_433 = arith.addi %select_n3A_431, %add3A_432 : i32
        %add3A_434 = arith.constant 1 : i32
        %add3A_435 = arith.addi %select_n3A_431, %add3A_434 : i32
        %select_n3A_436 = arith.constant true
        %select_n3A_437 = arith.select %select_n3A_436, %add3A_435, %select_n3A_431 : i32
        %eq3A_438 = arith.cmpi eq, %select_n3A_437, %add3A_236 : i32
        %select_n3A_439 = arith.constant 0 : i32
        %select_n3A_440 = arith.select %eq3A_438, %select_n3A_439, %select_n3A_437 : i32
        %add3A_441 = arith.constant 0 : i32
        %add3A_442 = arith.addi %select_n3A_440, %add3A_441 : i32
        %add3A_443 = arith.constant 1 : i32
        %add3A_444 = arith.addi %select_n3A_440, %add3A_443 : i32
        %select_n3A_445 = arith.constant true
        %select_n3A_446 = arith.select %select_n3A_445, %add3A_444, %select_n3A_440 : i32
        %eq3A_447 = arith.cmpi eq, %select_n3A_446, %add3A_236 : i32
        %select_n3A_448 = arith.constant 0 : i32
        %select_n3A_449 = arith.select %eq3A_447, %select_n3A_448, %select_n3A_446 : i32
        %add3A_450 = arith.constant 0 : i32
        %add3A_451 = arith.addi %select_n3A_449, %add3A_450 : i32
        %add3A_452 = arith.constant 1 : i32
        %add3A_453 = arith.addi %select_n3A_449, %add3A_452 : i32
        %select_n3A_454 = arith.constant true
        %select_n3A_455 = arith.select %select_n3A_454, %add3A_453, %select_n3A_449 : i32
        %eq3A_456 = arith.cmpi eq, %select_n3A_455, %add3A_236 : i32
        %select_n3A_457 = arith.constant 0 : i32
        %select_n3A_458 = arith.select %eq3A_456, %select_n3A_457, %select_n3A_455 : i32
        %add3A_459 = arith.constant 0 : i32
        %add3A_460 = arith.addi %select_n3A_458, %add3A_459 : i32
        %convert_element_type3A_461 = arith.extui %eq3A_411 : i1 to i32
        %cond3A_462 = arith.constant 0 : i32
        %cond3A_463 = arith.cmpi ne, %convert_element_type3A_461, %cond3A_462 : i32
        scf.if %cond3A_463 {
        } else {
        }
      } else {
      }
      tpu.yield
    }) : () -> ()
    return
  }
  func.func @transform_0(%arg0: i32, %arg1: memref<8xi32, #tpu.memory_space<smem>>) -> (i32, i32) {
    %c0_i32 = arith.constant 0 : i32
    %c0_i32_0 = arith.constant 0 : i32
    %c0_i32_1 = arith.constant 0 : i32
    return %c0_i32, %c0_i32_0 : i32, i32
  }
  func.func @transform_2(%arg0: i32, %arg1: memref<8xi32, #tpu.memory_space<smem>>) -> (i32, i32, i32) {
    %c0_i32 = arith.constant 0 : i32
    %c0_i32_0 = arith.constant 0 : i32
    %c0_i32_1 = arith.constant 0 : i32
    %c0_i32_2 = arith.constant 0 : i32
    return %c0_i32, %c0_i32_0, %c0_i32_1 : i32, i32, i32
  }
}

</mosaic_0001>

<sc_bundles>
// kernel: kernel.4.cloned.1.call-start
scs
__scs_entry_jumppad:
0x0: {  	(pc) =	sbr.rel $0x88, $3  }
0x1: {  	(tag) =	ssettag $0x0;
	lr =	simm.s32 $0x1  }
0x2: {  	[smem:$0x3F9E] =	sst lr;
	_ =	strace $0xD0000000  }
0x3: {  	_ = 	snop  }
0x4: {  	_ = 	snop  }
0x5: {  	_ = 	snop  }
0x6: {  	_ = 	snop  }
0x7: {  	_ = 	snop  }
__scs_overlays_trampoline_lowered:
0x8: {  	[smem:$0x3FAD] =	sst s0  }
0x9: {  	[smem:$0x3FAE] =	sst s1  }
0xa: {  	[smem:$0x3FAF] =	sst s2  }
0xb: {  	[smem:$0x3FB0] =	sst s3  }
0xc: {  	[smem:$0x3FB1] =	sst s4  }
0xd: {  	[smem:$0x3FB2] =	sst s5  }
0xe: {  	[smem:$0x3FB3] =	sst s6  }
0xf: {  	[smem:$0x3FB4] =	sst s7  }
0x10: {  	[smem:$0x3FB5] =	sst s8  }
0x11: {  	[smem:$0x3FB6] =	sst s9;
	s0 =	simm.s32 @!p0 $0x0  }
0x12: {  	s1 =	sld [smem:$0x3F9C];
	s0 =	simm.s32 @p0 $0x1  }
0x13: {  	[smem:$0x3FB7] =	sst s0;
	s0 =	simm.s32 @!p1 $0x0  }
0x14: {  	s2 =	sld [smem:$0x3F9B];
	s0 =	simm.s32 @p1 $0x1  }
0x15: {  	[smem:$0x3FB8] =	sst s0;
	s0 =	simm.s32 @!p2 $0x0  }
0x16: {  	s3 =	sld [smem:$0x3FDB];
	s0 =	simm.s32 @p2 $0x1  }
0x17: {  	s4 =	simm.s32 $0x1BF5;
	[smem:$0x3FBA] =	sst s0  }
0x18: {  	s0 =	sld [smem:$0x3F9D];
	_ =	swait.ge [sflag:s4], $0x0  }
0x19: {  	s7 =	sld [smem:$0x3F9E]  }
0x1a: {  	s8 =	sadd.s32 $0xFFFFE003, lr  }
0x1b: {  	s9 =	sadd.s32 $0xFFFFFEF7, lr;
	s5 =	simm.s32 $0xFFFFFFFF;
	p2 =	slt.u32 s8, $0xFFFFF086  }
0x1c: {  	p1 =	slt.u32 s9, $0xF7A;
	s5 =	simm.s32 @!p2 $0x0  }
0x1d: {  	s5 =	simm.s32 @p1 $0x1;
	p0 =	seq.s32 s7, s2  }
0x1e: {  	s7 =	smul.u32 @!p0 $0xF7A, s2;
	p2 =	seq.s32 @!p0 s5, $0x0  }
0x1f: {  	s9 =	smul.u32 $0xF7A, s1;
	s8 =	simm.s32 @!p0 $0x1BF5;
	p2 =	por !p2, p0  }
0x20: {  	[sflag:s8] =	ssyncset.s32 @!p0 $0xFFFFF086;
	s6 =	sadd.s32 @!p0 s3, s7;
	s7 =	simm.s32 @!p0 $0x108  }
0x21: {  	s3 =	sadd.s32 s3, s9;
	s6 =	sadd.s32 @!p0 $0x88, s6;
	s7 =	simm.s32 @p2 $0x1082  }
0x22: {  	[simem:s7], [sflag:s8] =	dma.local @!p0 [hbm:s6], $0xF7A  }
0x23: {  	s9 =	sor.u32 $0xD0000000, s2;
	s6 =	simm.s32 $0x108;
	_ =	swait.ge @!p0 [sflag:s8], $0x0  }
0x24: {  	s3 =	sadd.s32 $0x88, s3;
	s6 =	simm.s32 @!p1 $0x1082;
	[sflag:s4] =	ssyncset.s32 $0xFFFFF086  }
0x25: {  	[simem:s6], [sflag:s4] =	dma.local [hbm:s3], $0xF7A  }
0x26: {  	[smem:$0x3F9E] =	sst s1;
	(tag) =	ssettag s2;
	_ =	strace s9  }
0x27: {  	s1 =	sld [smem:$0x3FAE]  }
0x28: {  	s2 =	sld [smem:$0x3FAF]  }
0x29: {  	s4 =	sld [smem:$0x3FB1]  }
0x2a: {  	p0 =	seq.s32 s5, $0x0;
	s5 =	sld [smem:$0x3FB2]  }
0x2b: {  	s6 =	sld [smem:$0x3FB3]  }
0x2c: {  	s7 =	sld [smem:$0x3FB4]  }
0x2d: {  	s3 =	simm.s32 $0x108;
	s8 =	sld [smem:$0x3FB5]  }
0x2e: {  	s3 =	simm.s32 @!p0 $0x1082;
	s9 =	sld [smem:$0x3FB6]  }
0x2f: {  	lr =	sadd.s32 s0, s3;
	s0 =	sld [smem:$0x3FAD]  }
0x30: {  	s3 =	sld [smem:$0x3FB0]  }
0x31: {  	[smem:$0x3FB9] =	sst s10  }
0x32: {  	s10 =	sld [smem:$0x3FB7];
	_ =	sdelay $0x3  }
0x33: {  	p0 =	seq.s32 s10, $0x1;
	s10 =	sld [smem:$0x3FB9];
	_ =	sdelay $0x3  }
0x34: {  	[smem:$0x3FB9] =	sst s10  }
0x35: {  	s10 =	sld [smem:$0x3FB8];
	_ =	sdelay $0x3  }
0x36: {  	p1 =	seq.s32 s10, $0x1;
	s10 =	sld [smem:$0x3FB9];
	_ =	sdelay $0x3  }
0x37: {  	[smem:$0x3FB9] =	sst s10  }
0x38: {  	s10 =	sld [smem:$0x3FBA]  }
0x39: {  	_ = 	snop;
	(pc) =	sbr.ind lr, $3  }
0x3a: {  	_ = 	snop  }
0x3b: {  	_ = 	snop  }
0x3c: {  	p2 =	seq.s32 s10, $0x1;
	s10 =	sld [smem:$0x3FB9]  }
0x3d: {  	_ =	shalt  }
0x3e: {  	_ =	shalt  }
0x3f: {  	_ =	shalt  }
0x40: {  	_ =	shalt  }
0x41: {  	_ =	shalt  }
0x42: {  	_ =	shalt  }
0x43: {  	_ =	shalt  }
0x44: {  	_ =	shalt  }
0x45: {  	_ =	shalt  }
0x46: {  	_ =	shalt  }
0x47: {  	_ =	shalt  }
0x48: {  	_ =	shalt  }
0x49: {  	_ =	shalt  }
0x4a: {  	_ =	shalt  }
0x4b: {  	_ =	shalt  }
0x4c: {  	_ =	shalt  }
0x4d: {  	_ =	shalt  }
0x4e: {  	_ =	shalt  }
0x4f: {  	_ =	shalt  }
0x50: {  	_ =	shalt  }
0x51: {  	_ =	shalt  }
0x52: {  	_ =	shalt  }
0x53: {  	_ =	shalt  }
0x54: {  	_ =	shalt  }
0x55: {  	_ =	shalt  }
0x56: {  	_ =	shalt  }
0x57: {  	_ =	shalt  }
0x58: {  	_ =	shalt  }
0x59: {  	_ =	shalt  }
0x5a: {  	_ =	shalt  }
0x5b: {  	_ =	shalt  }
0x5c: {  	_ =	shalt  }
0x5d: {  	_ =	shalt  }
0x5e: {  	_ =	shalt  }
0x5f: {  	_ =	shalt  }
0x60: {  	_ =	shalt  }
0x61: {  	_ =	shalt  }
0x62: {  	_ =	shalt  }
0x63: {  	_ =	shalt  }
0x64: {  	_ =	shalt  }
0x65: {  	_ =	shalt  }
0x66: {  	_ =	shalt  }
0x67: {  	_ =	shalt  }
0x68: {  	_ =	shalt  }
0x69: {  	_ =	shalt  }
0x6a: {  	_ =	shalt  }
0x6b: {  	_ =	shalt  }
0x6c: {  	_ =	shalt  }
0x6d: {  	_ =	shalt  }
0x6e: {  	_ =	shalt  }
0x6f: {  	_ =	shalt  }
0x70: {  	_ =	shalt  }
0x71: {  	_ =	shalt  }
0x72: {  	_ =	shalt  }
0x73: {  	_ =	shalt  }
0x74: {  	_ =	shalt  }
0x75: {  	_ =	shalt  }
0x76: {  	_ =	shalt  }
0x77: {  	_ =	shalt  }
0x78: {  	_ =	shalt  }
0x79: {  	_ =	shalt  }
0x7a: {  	_ =	shalt  }
0x7b: {  	_ =	shalt  }
0x7c: {  	_ =	shalt  }
0x7d: {  	_ =	shalt  }
0x7e: {  	_ =	shalt  }
0x7f: {  	_ =	shalt  }
0x80: {  	_ =	shalt  }
0x81: {  	_ =	shalt  }
0x82: {  	_ =	shalt  }
0x83: {  	_ =	shalt  }
0x84: {  	_ =	shalt  }
0x85: {  	_ =	shalt  }
0x86: {  	_ =	shalt  }
0x87: {  	_ =	shalt  }
.Lfunc_end0:
.L_simem_size_0:
called_computation_lowered:
.L_overlay_start_0:
0x88: {  	s2 =	sld [smem:$0x3FD9]  }
0x89: {  	s3 =	sld [smem:$0x3FFE];
	_ =	sdelay $0x1  }
0x8a: {  	s1 =	srdreg.scid  }
0x8b: {  	s0 =	sand.u32 $0x1, s1  }
0x8c: {  	s17 =	sshll.u32 s0, $0xA;
	s2 =	sadd.s32 s3, s2  }
0x8d: {  	s2 =	sadd.s32 s2, s17  }
0x8e: {  	[smem:$0x3FC5] =	sst s2  }
0x8f: {  	_ = 	snop  }
0x90: {  	s2 =	sld [smem:$0x3FD0];
	(tm) =	ssettm $0x1  }
0x91: {  	s18 =	sld [smem:$0x3FFB];
	_ =	sdelay $0x3  }
0x92: {  	_ =	strace s18  }
0x93: {  	s3 =	sld [smem:$0x3FFC];
	_ =	sdelay $0x3  }
0x94: {  	_ =	strace s3  }
0x95: {  	s3 =	sld [smem:$0x3FFD];
	_ =	sdelay $0x3  }
0x96: {  	_ =	strace s3  }
0x97: {  	_ =	strace $0x8FFFFFFF  }
0x98: {  	s19 =	sld [smem:$0x3FDB];
	_ =	sdelay $0x1  }
0x99: {  	s4 =	simm.s32 $_scs_section_size  }
0x9a: {  	s5 =	simm.s32 $_size__tile_overlayer_lowered;
	s6 =	simm.s32 $_tile_overlayer_lowered  }
0x9b: {  	s22 =	simm.s32 $0x1BFF;
	s21 =	sshll.u32 s6, $0x1;
	s3 =	sadd.s32 s4, s19  }
0x9c: {  	s7 =	simm.s32 $0x0;
	s20 =	sshll.u32 s5, $0x1;
	s5 =	sadd.s32 s21, s3  }
0x9d: {  	[timem:s7], [sflag:s22] =	dma.local [hbm:s5], s20  }
0x9e: {  	_ =	swait.ge [sflag:s22], s20  }
0x9f: {  	s4 =	ssub.s32 $0x0, s20;
	[sflag:s22] =	ssyncset.done $0x0  }
0xa0: {  	[sflag:s22] =	ssyncadd.s32 s4;
	_ =	sdelay $0x1  }
0xa1: {  	s23 =	simm.s32 $0x1B8B  }
0xa2: {  	_ =	swait.ge [sflag:s23], $0x1  }
0xa3: {  	[sflag:s23] =	ssyncset.done $0x0  }
0xa4: {  	s25 =	simm.s32 $0x1B8E;
	s24 =	sld [smem:$0x3FFE];
	[sflag:s23] =	ssyncadd.s32 $0xFFFFFFFF  }
0xa5: {  	s26 =	simm.s32 $execute0_lowered;
	[smem:$0x3FD2] =	sst s25  }
0xa6: {  	s5 =	sshll.u32 s26, $0x1;
	_ =	strace $0x80000046;
	[dreg:$0x1] =	wrdreg $0xFFFFFFFF  }
0xa7: {  	s28 =	simm.s32 $_size_execute0_lowered;
	s3 =	sadd.s32 s3, s5;
	[dreg:$0x0] =	wrdreg $0x0  }
0xa8: {  	s5 =	sshll.u32 s28, $0x1;
	[dreg:$0x2] =	wrdreg s3  }
0xa9: {  	[dreg:$0x3] =	wrdreg s5  }
0xaa: {  	[dreg:$0x4] =	wrdreg $0xC0  }
0xab: {  	_ =	task [dreg:s7], $0x5FFFF  }
0xac: {  	[dreg:$0x1] =	wrdreg $0xFFFFFFFF  }
0xad: {  	[dreg:$0x0] =	wrdreg $0x60  }
0xae: {  	[dreg:$0x2] =	wrdreg s24  }
0xaf: {  	[dreg:$0x3] =	wrdreg s2  }
0xb0: {  	[dreg:$0x4] =	wrdreg $0x9  }
0xb1: {  	_ =	task.clear_ibuf [dreg:s7], $0x5FFFF;
	_ =	strace $0x90000046  }
0xb2: {  	s29 =	simm.s32 $0x9;
	_ =	strace $0x80000048  }
0xb3: {  	_ =	swait.ge [sflag:s29], $0x1  }
0xb4: {  	[sflag:s29] =	ssyncadd.s32 $0xFFFFFFFF  }
0xb5: {  	_ =	strace $0x90000048  }
0xb6: {  	_ =	sfence  }
0xb7: {  	s30 =	sld [smem:$0x0];
	_ =	sdelay $0x2  }
0xb8: {  	s31 =	sshll.u32 s1, $0xD;
	s1 =	sshrl.u32 s1, $0x2  }
0xb9: {  	s3 =	sand.u32 $0x4000, s31;
	s1 =	sadd.s32 s1, s30  }
0xba: {  	s0 =	sor.u32 s3, s0;
	s1 =	sshll.u32 s1, $0x11  }
0xbb: {  	s0 =	sor.u32 s1, s0  }
0xbc: {  	s0 =	sadd.s32 $0x8F2B, s0  }
0xbd: {  	[sflag:s0] =	ssyncadd.remote.s32 $0x1  }
0xbe: {  	_ =	sfence.sel $0xFFFF  }
0xbf: {  	[dreg:$0x0] =	wrdreg $0xFFFFFFFF;
	(pc) =	sbr.abs _section_cstart, $3  }
0xc0: {  	[dreg:$0x1] =	wrdreg $0xFFFFFFFF  }
0xc1: {  	_ =	task.clear_ibuf [dreg:s7], $0x2FFFF;
	_ =	strace $0x9FFFFFFF  }
0xc2: {  	(tm) =	ssettm $0x7FFFFFFF  }
0xc3: {  	_ =	shalt  }
tec
execute0_lowered:
.L_overlay_start_1:
0x0: {  	(tag) =	ssettag $0x1  }
0x1: {  	s1 =	stileid.u32  }
0x2: {  	p0 =	sgt.u32 s1, $0x3  }
.Ltmp0:
0x3: {  	_ = 	snop;
	(pc) =	sbr.rel @p0 .LBB2_7-.Ltmp0, $4  }
0x4: {  	s3 =	rddreg [dreg:$0x0]  }
0x5: {  	s4 =	rddreg [dreg:$0x1];
	s2 =	simm.s32 $0x0  }
0x6: {  	[smem:$0x7FF] =	sst s2  }
0x7: {  	s0 =	rddreg [dreg:$0x2];
	_ =	strace $0x80000047  }
0x8: {  	v0 =	vimm.s32 $0xEDCBA987  }
0x9: {  	v1 =	vimm.s32 $0x65432100;
	v0 =	vunpack.c.l.s4.s8 v0  }
0xa: {  	v1 =	vunpack.c.l.s4.s8 v1  }
0xb: {  	v2 =	vimm.s32 $0xDCBA9876;
	v0 =	vunpack.c.0.s8.s32 v0  }
0xc: {  	v3 =	vimm.s32 $0x54321000;
	v4 =	vimm.s32 $0xE40000;
	v1 =	vunpack.c.0.s8.s32 v1  }
0xd: {  	v5 =	vimm.s32 $0x32100000;
	vm0 =	vmmov $0x1;
	v0 =	vand.u32 $0xF, v0  }
0xe: {  	v0 =	vcombine.low v1, v0;
	v1 =	vunpack.c.l.s4.s8 v3;
	v3 =	vimm.s32 $0xBA987654  }
0xf: {  	v7 =	vimm.s32 $0x7060504;
	v4 =	vunpack.c.l.s2.s4 v4;
	v3 =	vunpack.c.l.s4.s8 v3  }
0x10: {  	v8 =	vimm.s32 $0x87654321;
	vm1 =	vcmask $0x3F30;
	v15 =	vimm.s32 $0xFFFEDCBA  }
0x11: {  	v2 =	vunpack.c.l.s4.s8 v2;
	v14 =	vunpack.c.0.s8.s32 v3;
	v3 =	vunpack.c.l.s4.s8 v4  }
0x12: {  	v10 =	vimm.s32 $0x98765432;
	vm2 =	vcmask $0x2F20;
	v15 =	vunpack.c.l.s4.s8 v15  }
0x13: {  	v5 =	vunpack.c.l.s4.s8 v5;
	v2 =	vunpack.c.0.s8.s32 v2;
	v3 =	vunpack.c.0.s8.s32 v3  }
0x14: {  	v7 =	vunpack.c.0.s8.s32 v7;
	v15 =	vunpack.c.0.s8.s32 v15;
	v6 =	vunpack.c.0.s8.s32 v1  }
0x15: {  	v2 =	vand.u32 $0xF, v2;
	v9 =	vand.u32 $0x3, v3;
	v3 =	vunpack.c.l.s4.s8 v8  }
0x16: {  	v4 =	vunpack.c.0.s8.s32 v5;
	v2 =	vcombine.low v6, v2;
	v6 =	vimm.s32 $0xFEDCBA9  }
0x17: {  	v5 =	vand.u32 $0xF, v14;
	v8 =	vimm.s32 $0x10FEDCBA;
	v11 =	vunpack.c.0.s8.s32 v3  }
0x18: {  	v3 =	vcombine.low v4, v5;
	v4 =	vsel vm1, v7, v9;
	v7 =	vunpack.c.l.s4.s8 v10  }
0x19: {  	v1 =	vimm.s32 $0x0;
	v6 =	vunpack.c.l.s4.s8 v6;
	v8 =	vunpack.c.l.s4.s8 v8  }
0x1a: {  	v9 =	vimm.s32 $0xFEDCBA98;
	v12 =	vunpack.c.0.s8.s32 v7;
	v7 =	vimm.s32 $0x3210FEDC  }
0x1b: {  	v9 =	vunpack.c.l.s4.s8 v9;
	v10 =	vunpack.c.l.s4.s8 v7;
	v7 =	vimm.s32 $0x76543210  }
0x1c: {  	v8 =	vunpack.c.0.s8.s32 v8;
	v13 =	vunpack.c.l.s4.s8 v7;
	v7 =	vimm.s32 $0xFFEDCBA9  }
0x1d: {  	v6 =	vunpack.c.0.s8.s32 v6;
	v16 =	vunpack.c.0.s8.s32 v9;
	v9 =	vunpack.c.l.s4.s8 v7  }
0x1e: {  	s5 =	srdreg.scid;
	s6 =	sshll.u32 s1, $0x5;
	s31 =	sadd.s32 $0x1200, s3;
	v7 =	vcombine.low v12, v8;
	v8 =	vunpack.c.0.s8.s32 v10;
	v10 =	vunpack.c.0.s8.s32 v13  }
0x1f: {  	s10 =	simm.s32 $0x1;
	s11 =	simm.s32 $0x800;
	s5 =	sand.u32 $0x1, s5;
	v5 =	vimm.s32 $0xF;
	v13 =	vand.u32 $0xF, v16;
	v17 =	vunpack.c.0.s8.s32 v9  }
0x20: {  	s12 =	simm.s32 $0x2000;
	s7 =	sshll.u32 s5, $0x4;
	s5 =	ssub.s32 $0x2, s5;
	vm1 =	vcmask $0x1F00;
	v6 =	vcombine.low v11, v6;
	v9 =	vcombine.low v13, v10  }
0x21: {  	s13 =	simm.s32 $0x1800;
	s6 =	sor.u32 s7, s6;
	s9 =	sshrl.u32 s5, $0x1;
	v13 =	vcombine.low v11, v17;
	v11 =	vcombine.low v12, v15;
	v15 =	vimm.s32 $0xF0E0D0C  }
0x22: {  	s8 =	sadd.s32 s6, s3;
	s4 =	sadd.s32 s4, s6;
	s9 =	ssub.s32 s5, s9;
	v8 =	vcombine.low v14, v8;
	v10 =	vlaneseq.u32;
	v15 =	vunpack.c.0.s8.s32 v15  }
0x23: {  	s6 =	sadd.s32 s31, s6;
	s3 =	sadd.s32 $0xA00, s8;
	s5 =	sadd.s32 $0x1A00, s8;
	v14 =	vnsel vm1, $0xF, v14;
	v12 =	vor.u32 $0x7F0, v10;
	v13 =	vand.u32 $0xF, v13  }
0x24: {  	s7 =	smax.u32 s9, $0x1;
	s8 =	simm.s32 $0x80;
	s9 =	simm.s32 $0x400;
	v14 =	vsel vm2, v15, v14;
	v15 =	vnsel vm1, $0xF, v16;
	vm1 =	vmmov $0x7fff  }
.LBB2_2:
0x25: {  	s14 =	simm.s32 $0x0  }
0x26: {  	[tilespmem:s14], [sflag:$0x1] =	stream.strided.gather [hbm4b:s6+s8], $0x800, s9, s8, $0x38;
	[tilespmem:$0x2080] =	vst v63  }
0x27: {  	_ =	swait.ge [sflag:s10], $0x800  }
0x28: {  	[sflag:s10] =	ssyncset.done $0x0  }
0x29: {  	[sflag:s10] =	ssyncadd.s32 $0xFFFFF800  }
0x2a: {  	[tilespmem:s11], [sflag:$0x1] =	stream.strided.gather [hbm4b:s3+s8], $0x800, s9, s8, $0x38;
	[tilespmem:$0x2080] =	vst v63  }
0x2b: {  	_ =	swait.ge [sflag:s10], $0x800  }
0x2c: {  	[sflag:s10] =	ssyncset.done $0x0  }
0x2d: {  	[sflag:s10] =	ssyncadd.s32 $0xFFFFF800  }
0x2e: {  	[tilespmem:s12], [sflag:$0x1] =	stream.linear.gather [hbm4b:s4+s14], $0x80, $0x38;
	[tilespmem:$0x2080] =	vst v63  }
0x2f: {  	_ =	swait.ge [sflag:s10], $0x80  }
0x30: {  	[sflag:s10] =	ssyncset.done $0x0  }
0x31: {  	s14 =	simm.s32 $0x0;
	[sflag:s10] =	ssyncadd.s32 $0xFFFFFF80  }
0x32: {  	v17 =	vld [tilespmem:s14+$0x0]  }
0x33: {  	v18 =	vld [tilespmem:s14+$0x800];
	_ =	sdelay $0x4  }
0x34: {  	v16 =	vld [tilespmem:$0x2000];
	v20 =	vperm.xlane v17, v0;
	v21 =	vperm.xlane v18, v0  }
0x35: {  	v19 =	vimm.s32 $0xFFFFFFFF  }
0x36: {  	v20 =	vsel vm0, v19, v20;
	v21 =	vsel vm0, v19, v21  }
0x37: {  	s15 =	simm.s32 $0x10;
	vm2 =	vne.s32 v17, v20;
	vm3 =	vne.s32 v18, v21  }
0x38: {  	vm4 =	veq.s32 v10, $0x0;
	v22 =	vld [tilespmem:s15+$0x800];
	vm2 =	vmor vm2, vm3  }
0x39: {  	vm3 =	vlt.s32 v10, v16;
	vm2 =	vmor vm4, vm2  }
0x3a: {  	v20 =	vld [tilespmem:s15+$0x0];
	vm2 =	vmand vm3, vm2  }
0x3b: {  	v21 =	vnsel vm2, $0xFFFFFFFF, v10  }
0x3c: {  	v23 =	vperm.xlane v21, v0  }
0x3d: {  	v26 =	vperm.xlane v22, v0;
	v18 =	vperm.xlane v18, v5  }
0x3e: {  	v24 =	vperm.xlane v17, v5;
	vm3 =	vgt.s32 v21, v23  }
0x3f: {  	v18 =	vsel vm0, v18, v26;
	v25 =	vperm.xlane v20, v0;
	v23 =	vsel vm3, v21, v23  }
0x40: {  	vm4 =	vne.s32 v22, v18;
	v27 =	vperm.xlane v23, v2  }
0x41: {  	v18 =	vimm.s32 $0x0;
	v17 =	vsel vm2, $0x1, v1;
	v24 =	vsel vm0, v24, v25  }
0x42: {  	v21 =	vadd.s32 $0x10, v10;
	vm3 =	vne.s32 v20, v24;
	vm5 =	vgt.s32 v23, v27  }
0x43: {  	s16 =	simm.s32 $0x20;
	vm2 =	veq.s32 v21, $0x0;
	vm4 =	vmor vm3, vm4;
	v23 =	vsel vm5, v23, v27  }
0x44: {  	s17 =	simm.s32 $0xC0;
	v24 =	vld [tilespmem:s16+$0x0];
	vm3 =	vlt.s32 v21, v16;
	vm2 =	vmor vm2, vm4;
	v25 =	vperm.xlane v23, v3  }
.LBB2_3:
0x45: {  	p0 =	sne.s32 s17, $0x1FC0;
	v26 =	vld [tilespmem:s16+$0x800];
	vm2 =	vmand vm3, vm2;
	v18 =	vadd.s32 v17, v18  }
0x46: {  	v17 =	vsel vm2, $0x1, v1;
	v27 =	vnsel vm2, $0xFFFFFFFF, v21;
	vm2 =	vgt.s32 v23, v25  }
0x47: {  	v21 =	vadd.s32 $0x10, v21;
	v28 =	vperm.xlane v27, v0;
	v23 =	vsel vm2, v23, v25  }
0x48: {  	vm2 =	veq.s32 v21, $0x0;
	v25 =	vperm.xlane v20, v5;
	v29 =	vperm.xlane v23, v4  }
0x49: {  	v31 =	vperm.xlane v22, v5;
	v30 =	vperm.xlane v24, v0;
	vm3 =	vgt.s32 v27, v28;
	v20 =	vmovc v24  }
0x4a: {  	v24 =	vperm.xlane v26, v0;
	v27 =	vsel vm3, v27, v28;
	vm3 =	vgt.s32 v23, v29;
	v22 =	vmovc v26  }
.Ltmp1:
0x4b: {  	v25 =	vsel vm0, v25, v30;
	v26 =	vperm.xlane v27, v2;
	v23 =	vsel vm3, v23, v29;
	(pc) =	sbr.rel @p0 .LBB2_3-.Ltmp1, $4  }
0x4c: {  	vm3 =	vne.s32 v20, v25;
	v24 =	vsel vm0, v31, v24;
	vm4 =	vgt.s32 v23, v19  }
0x4d: {  	vm5 =	vne.s32 v22, v24;
	vm6 =	vgt.s32 v27, v26;
	v19 =	vsel vm4, v23, v19  }
0x4e: {  	vm4 =	vmor vm3, vm5;
	v23 =	vsel vm6, v27, v26;
	[tilespmem:s14+$0x1000] =	vst v19;
	v19 =	vperm.xlane v19, v5;
	s14 =	smov.u32 s15;
	s15 =	smov.u32 s16;
	s16 =	sshra.s32 s17, $0x2  }
0x4f: {  	s17 =	sadd.s32 $0x40, s17;
	vm3 =	vlt.s32 v21, v16;
	v24 =	vld [tilespmem:s16+$0x0];
	vm2 =	vmor vm2, vm4;
	v25 =	vperm.xlane v23, v3  }
0x50: {  	v26 =	vld [tilespmem:s16+$0x800];
	_ =	sdelay $0x3  }
0x51: {  	v20 =	vperm.xlane v20, v5;
	v22 =	vperm.xlane v22, v5  }
0x52: {  	v27 =	vperm.xlane v24, v0;
	v28 =	vperm.xlane v26, v0  }
0x53: {  	vm2 =	vmand vm3, vm2  }
0x54: {  	v29 =	vnsel vm2, $0xFFFFFFFF, v21;
	v20 =	vsel vm0, v20, v27;
	v22 =	vsel vm0, v22, v28  }
0x55: {  	v21 =	vadd.s32 $0x10, v21;
	vm3 =	vne.s32 v24, v20;
	vm4 =	vne.s32 v26, v22  }
0x56: {  	vm5 =	veq.s32 v21, $0x0;
	v20 =	vperm.xlane v29, v0;
	vm3 =	vmor vm3, vm4  }
0x57: {  	vm9 =	vlt.s32 v21, v16;
	vm3 =	vmor vm5, vm3  }
0x58: {  	vm10 =	vgt.s32 v29, v20;
	vm3 =	vmand vm9, vm3  }
0x59: {  	v20 =	vsel vm10, v29, v20;
	v21 =	vnsel vm3, $0xFFFFFFFF, v21  }
0x5a: {  	v22 =	vperm.xlane v20, v2;
	v62 =	vperm.xlane v21, v0  }
0x5b: {  	vm11 =	vgt.s32 v23, v25  }
0x5c: {  	v23 =	vsel vm11, v23, v25;
	vm12 =	vgt.s32 v20, v22;
	vm13 =	vgt.s32 v21, v62  }
0x5d: {  	v25 =	vperm.xlane v23, v4;
	v20 =	vsel vm12, v20, v22;
	v21 =	vsel vm13, v21, v62  }
0x5e: {  	v22 =	vperm.xlane v20, v3;
	v24 =	vperm.xlane v21, v2;
	_ =	sdelay $0x1  }
0x5f: {  	vm14 =	vgt.s32 v23, v25;
	vm15 =	vgt.s32 v20, v22;
	vm6 =	vgt.s32 v21, v24  }
0x60: {  	v23 =	vsel vm14, v23, v25;
	v20 =	vsel vm15, v20, v22;
	v21 =	vsel vm6, v21, v24  }
0x61: {  	vm4 =	vgt.s32 v23, v19;
	v22 =	vperm.xlane v20, v4;
	v24 =	vperm.xlane v21, v3  }
0x62: {  	v19 =	vsel vm4, v23, v19  }
0x63: {  	v23 =	vperm.xlane v19, v5;
	vm9 =	vgt.s32 v20, v22;
	vm10 =	vgt.s32 v21, v24  }
0x64: {  	v20 =	vsel vm9, v20, v22;
	v21 =	vsel vm10, v21, v24  }
0x65: {  	vm4 =	vgt.s32 v20, v23;
	v22 =	vperm.xlane v21, v4  }
0x66: {  	v20 =	vsel vm4, v20, v23  }
0x67: {  	v23 =	vperm.xlane v20, v5;
	vm11 =	vgt.s32 v21, v22  }
0x68: {  	v21 =	vsel vm11, v21, v22  }
0x69: {  	[tilespmem:s14+$0x1000] =	vst v19;
	vm4 =	vgt.s32 v21, v23  }
0x6a: {  	p0 =	por $0x1, $0x1;
	[tilespmem:s15+$0x1000] =	vst v20;
	s15 =	simm.s32 $0x7E0;
	v19 =	vsel vm4, v21, v23  }
0x6b: {  	s15 =	simm.s32 @!p0 $0x0;
	[tilespmem:s16+$0x1000] =	vst v19  }
0x6c: {  	s31 =	simm.s32 $0x7F0;
	v19 =	vld [tilespmem:s15+$0x0]  }
0x6d: {  	v20 =	vld [tilespmem:s31+$0x0]  }
0x6e: {  	s14 =	simm.s32 $0xFF0;
	v21 =	vld [tilespmem:s15+$0x800]  }
0x6f: {  	v22 =	vld [tilespmem:s14+$0x0];
	_ =	sdelay $0x3  }
0x70: {  	v19 =	vperm.xlane v19, v5;
	v23 =	vperm.xlane v20, v0  }
0x71: {  	v21 =	vperm.xlane v21, v5;
	v63 =	vperm.xlane v22, v0;
	_ =	sdelay $0x1  }
0x72: {  	v19 =	vsel vm0, v19, v23;
	v21 =	vsel vm0, v21, v63  }
0x73: {  	vm12 =	vne.s32 v20, v19;
	vm13 =	vne.s32 v22, v21  }
0x74: {  	vm14 =	veq.s32 v12, $0x0;
	vm5 =	vmor vm12, vm13  }
0x75: {  	vm15 =	vlt.s32 v12, v16;
	vm5 =	vmor vm14, vm5  }
0x76: {  	vm5 =	vmand vm15, vm5  }
0x77: {  	v19 =	vnsel vm5, $0x800, v12  }
0x78: {  	v20 =	vperm.xlane v19, v13;
	_ =	sdelay $0x1  }
0x79: {  	vm5 =	vlt.s32 v19, v20  }
0x7a: {  	v19 =	vsel vm5, v19, v20  }
0x7b: {  	v20 =	vperm.xlane v19, v11;
	_ =	sdelay $0x1  }
0x7c: {  	vm5 =	vlt.s32 v19, v20  }
0x7d: {  	v19 =	vsel vm5, v19, v20  }
0x7e: {  	v20 =	vperm.xlane v19, v14  }
0x7f: {  	v17 =	vadd.s32 v17, v18;
	v18 =	vsel vm2, $0x1, v1  }
0x80: {  	v17 =	vadd.s32 v18, v17;
	v18 =	vsel vm3, $0x1, v1;
	vm2 =	vlt.s32 v19, v20  }
0x81: {  	v17 =	vadd.s32 v18, v17;
	v18 =	vsel vm2, v19, v20  }
0x82: {  	v19 =	vperm.xlane v17, v6;
	v20 =	vperm.xlane v18, v15;
	_ =	sdelay $0x1  }
0x83: {  	v17 =	vadd.s32 v17, v19;
	vm2 =	vlt.s32 v18, v20  }
0x84: {  	v19 =	vperm.xlane v17, v7;
	v18 =	vsel vm2, v18, v20  }
0x85: {  	v20 =	vperm.xlane v18, v13  }
0x86: {  	s15 =	simm.s32 $0x17F0;
	v17 =	vadd.s32 v19, v17;
	v19 =	vimm.s32 $0x800  }
0x87: {  	v22 =	vld [tilespmem:s15+$0x0];
	v21 =	vperm.xlane v17, v8;
	v20 =	vsel vm1, v20, v19  }
0x88: {  	vm2 =	vlt.s32 v20, v19  }
0x89: {  	v17 =	vadd.s32 v21, v17;
	v19 =	vsel vm2, v20, v19  }
0x8a: {  	v20 =	vperm.xlane v17, v9;
	vm2 =	vlt.s32 v19, v16  }
0x8b: {  	v21 =	vsel vm2, v19, v16  }
0x8c: {  	v17 =	vadd.s32 v20, v17;
	v20 =	vsub.s32 v21, v22  }
0x8d: {  	v17 =	vcvt.s32.f32 v17;
	v20 =	vcvt.s32.f32 v20;
	_ =	sdelay $0x1  }
0x8e: {  	v20 =	vmul.f32 v20, v17;
	_ =	sdelay $0x1  }
0x8f: {  	vm2 =	vgt.f32 v20, $0.0e+00  }
0x90: {  	vm2 =	vmand vm15, vm2  }
0x91: {  	v20 =	vnsel vm2, $0x3F800000, v20  }
0x92: {  	(erf) = vrcp.f32 v20;
	_ =	sdelay $0x8  }
0x93: {  	v20 =	vpop (erf)  }
0x94: {  	s19 =	simm.s32 $0x7D0;
	p0 =	por $0x1, $0x1;
	s16 =	simm.s32 $0x1FF0;
	v20 =	vnsel vm2, $0x0, v20  }
0x95: {  	s19 =	simm.s32 @!p0 $0x0;
	vm2 =	vlt.s32 v18, v19;
	[tilespmem:s16+$0x0] =	vst v20  }
0x96: {  	s17 =	simm.s32 $0x7E0;
	v18 =	vsel vm2, v18, v19;
	v21 =	vld [tilespmem:s19+$0x0]  }
0x97: {  	s18 =	simm.s32 $0x7C0;
	v19 =	vmov v12;
	v18 =	vperm.xlane v18, v1;
	v20 =	vld [tilespmem:s17+$0x0]  }
.LBB2_5:
0x98: {  	p0 =	sne.s32 s18, $0xFFFFFFF0;
	v22 =	vld [tilespmem:s19+$0x800];
	s14 =	sadd.s32 $0xFFFFFFF0, s14  }
0x99: {  	v23 =	vld [tilespmem:s14+$0x0];
	_ =	sdelay $0x3  }
0x9a: {  	v21 =	vperm.xlane v21, v5;
	v24 =	vperm.xlane v20, v0  }
0x9b: {  	v22 =	vperm.xlane v22, v5;
	v25 =	vperm.xlane v23, v0;
	_ =	sdelay $0x1  }
0x9c: {  	v21 =	vsel vm0, v21, v24;
	v22 =	vsel vm0, v22, v25  }
0x9d: {  	v19 =	vadd.s32 $0xFFFFFFF0, v19;
	vm2 =	vne.s32 v20, v21;
	vm3 =	vne.s32 v23, v22  }
0x9e: {  	vm4 =	veq.s32 v19, $0x0;
	vm3 =	vmor vm2, vm3  }
0x9f: {  	vm2 =	vlt.s32 v19, v16;
	vm3 =	vmor vm4, vm3  }
0xa0: {  	vm3 =	vmand vm2, vm3  }
0xa1: {  	v20 =	vnsel vm3, $0x800, v19  }
0xa2: {  	v21 =	vperm.xlane v20, v13;
	_ =	sdelay $0x1  }
0xa3: {  	vm3 =	vlt.s32 v20, v21  }
0xa4: {  	v20 =	vsel vm3, v20, v21  }
0xa5: {  	v21 =	vperm.xlane v20, v11;
	_ =	sdelay $0x1  }
0xa6: {  	vm3 =	vlt.s32 v20, v21  }
0xa7: {  	v20 =	vsel vm3, v20, v21  }
0xa8: {  	v21 =	vperm.xlane v20, v14;
	_ =	sdelay $0x1  }
0xa9: {  	vm3 =	vlt.s32 v20, v21  }
0xaa: {  	v20 =	vsel vm3, v20, v21  }
0xab: {  	v21 =	vperm.xlane v20, v15;
	_ =	sdelay $0x1  }
0xac: {  	vm3 =	vlt.s32 v20, v21  }
0xad: {  	v20 =	vsel vm3, v20, v21  }
0xae: {  	v21 =	vperm.xlane v20, v13  }
0xaf: {  	s15 =	sadd.s32 $0xFFFFFFF0, s15  }
0xb0: {  	v21 =	vsel vm1, v21, v18;
	v22 =	vld [tilespmem:s15+$0x0]  }
0xb1: {  	vm3 =	vlt.s32 v21, v18  }
0xb2: {  	v18 =	vsel vm3, v21, v18  }
0xb3: {  	vm3 =	vlt.s32 v18, v16;
	vm4 =	vlt.s32 v20, v18  }
0xb4: {  	v21 =	vsel vm3, v18, v16;
	v18 =	vsel vm4, v20, v18  }
0xb5: {  	v20 =	vsub.s32 v21, v22;
	v18 =	vperm.xlane v18, v1  }
0xb6: {  	v20 =	vcvt.s32.f32 v20;
	_ =	sdelay $0x1  }
0xb7: {  	v20 =	vmul.f32 v20, v17;
	_ =	sdelay $0x1  }
0xb8: {  	vm3 =	vgt.f32 v20, $0.0e+00  }
0xb9: {  	vm2 =	vmand vm2, vm3  }
0xba: {  	v20 =	vnsel vm2, $0x3F800000, v20  }
0xbb: {  	(erf) = vrcp.f32 v20;
	_ =	sdelay $0x8  }
.Ltmp2:
0xbc: {  	v20 =	vpop (erf);
	(pc) =	sbr.rel @p0 .LBB2_5-.Ltmp2, $4  }
0xbd: {  	p1 =	sgt.s32 s18, $0x0;
	s16 =	sadd.s32 $0xFFFFFFF0, s16;
	s19 =	smov.u32 s18;
	v20 =	vnsel vm2, $0x0, v20  }
0xbe: {  	s19 =	simm.s32 @!p1 $0x0;
	[tilespmem:s16+$0x0] =	vst v20  }
0xbf: {  	s17 =	sadd.s32 $0xFFFFFFF0, s17;
	v21 =	vld [tilespmem:s19+$0x0]  }
0xc0: {  	s18 =	sadd.s32 $0xFFFFFFF0, s18;
	v20 =	vld [tilespmem:s17+$0x0]  }
0xc1: {  	v22 =	vld [tilespmem:s19+$0x800];
	s14 =	sadd.s32 $0xFFFFFFF0, s14  }
0xc2: {  	v23 =	vld [tilespmem:s14+$0x0];
	_ =	sdelay $0x3  }
0xc3: {  	v21 =	vperm.xlane v21, v5;
	v24 =	vperm.xlane v20, v0  }
0xc4: {  	v22 =	vperm.xlane v22, v5;
	v25 =	vperm.xlane v23, v0;
	_ =	sdelay $0x1  }
0xc5: {  	v21 =	vsel vm0, v21, v24;
	v22 =	vsel vm0, v22, v25  }
0xc6: {  	v19 =	vadd.s32 $0xFFFFFFF0, v19;
	vm2 =	vne.s32 v20, v21;
	vm3 =	vne.s32 v23, v22  }
0xc7: {  	vm2 =	vmor vm2, vm3;
	vm3 =	veq.s32 v19, $0x0  }
0xc8: {  	vm4 =	vlt.s32 v19, v16;
	vm2 =	vmor vm3, vm2  }
0xc9: {  	vm2 =	vmand vm4, vm2  }
0xca: {  	v19 =	vnsel vm2, $0x800, v19  }
0xcb: {  	v62 =	vperm.xlane v19, v13;
	_ =	sdelay $0x1  }
0xcc: {  	vm2 =	vlt.s32 v19, v62  }
0xcd: {  	v19 =	vsel vm2, v19, v62  }
0xce: {  	v20 =	vperm.xlane v19, v11;
	_ =	sdelay $0x1  }
0xcf: {  	vm2 =	vlt.s32 v19, v20  }
0xd0: {  	v19 =	vsel vm2, v19, v20  }
0xd1: {  	v20 =	vperm.xlane v19, v14;
	_ =	sdelay $0x1  }
0xd2: {  	vm2 =	vlt.s32 v19, v20  }
0xd3: {  	v19 =	vsel vm2, v19, v20  }
0xd4: {  	v20 =	vperm.xlane v19, v15;
	_ =	sdelay $0x1  }
0xd5: {  	vm2 =	vlt.s32 v19, v20  }
0xd6: {  	v19 =	vsel vm2, v19, v20  }
0xd7: {  	v19 =	vperm.xlane v19, v13  }
0xd8: {  	s30 =	sadd.s32 $0xFFFFFFF0, s15  }
0xd9: {  	v63 =	vld [tilespmem:s30+$0x0];
	v19 =	vsel vm1, v19, v18  }
0xda: {  	vm2 =	vlt.s32 v19, v18  }
0xdb: {  	v18 =	vsel vm2, v19, v18  }
0xdc: {  	vm2 =	vlt.s32 v18, v16  }
0xdd: {  	v16 =	vsel vm2, v18, v16  }
0xde: {  	v16 =	vsub.s32 v16, v63  }
0xdf: {  	v16 =	vcvt.s32.f32 v16;
	_ =	sdelay $0x1  }
0xe0: {  	v16 =	vmul.f32 v16, v17;
	_ =	sdelay $0x1  }
0xe1: {  	vm2 =	vgt.f32 v16, $0.0e+00  }
0xe2: {  	vm2 =	vmand vm4, vm2  }
0xe3: {  	v16 =	vnsel vm2, $0x3F800000, v16  }
0xe4: {  	(erf) = vrcp.f32 v16;
	_ =	sdelay $0x8  }
0xe5: {  	s2 =	sadd.s32 $0x1, s2;
	v16 =	vpop (erf)  }
0xe6: {  	s31 =	sadd.s32 $0xFFFFFFF0, s16;
	p0 =	sne.s32 s2, s7;
	v16 =	vnsel vm2, $0x0, v16  }
.Ltmp3:
0xe7: {  	[tilespmem:s31+$0x0] =	vst v16;
	(pc) =	sbr.rel @p0 .LBB2_2-.Ltmp3, $4  }
0xe8: {  	[hbm4b:s5+s8] =	stream.strided.scatter [tilespmem:s13], [sflag:$0x1], $0x800, s9, s8, $0x38;
	[tilespmem:$0x2080] =	vst v63  }
0xe9: {  	_ =	swait.ge [sflag:s10], $0x800  }
0xea: {  	[sflag:s10] =	ssyncset.done $0x0  }
0xeb: {  	[sflag:s10] =	ssyncadd.s32 $0xFFFFF800  }
.LBB2_7:
0xec: {  	_ =	sfence.sel $0x180000  }
0xed: {  	[bflag:$0x0] =	sbarrier.arrive $0xFFFF  }
0xee: {  	p0 =	sne.s32 s1, $0x0;
	_ =	strace $0x90000047  }
0xef: {  	s0 =	sadd.s32 @!p0 $0x100000, s0;
	[bflag:$0x2] =	sbarrier.arrive $0xFFFF  }
0xf0: {  	[sflag:s0] =	ssyncadd.tile.s32 @!p0 $0x1;
	_ =	shalt  }
.Lfunc_end2:
_tile_overlayer_lowered:
.L_overlay_start_2:
0xf1: {  	(tag) =	ssettag $0x2  }
0xf2: {  	s0 =	rddreg [dreg:$0x0];
	s2 =	stileid.u32  }
0xf3: {  	s1 =	rddreg [dreg:$0x1];
	p0 =	sne.s32 s2, $0x0  }
0xf4: {  	s3 =	rddreg [dreg:$0x2];
	[bflag:$0x3] =	sbarrier.arrive $0xFFFF;
	s2 =	simm.s32 @!p0 $0x1C01  }
0xf5: {  	[timem:s3], [sflag:s2] =	dma.local @!p0 [hbm:s0], s1  }
0xf6: {  	s0 =	simm.s32 @!p0 $0x1  }
0xf7: {  	_ =	swait.ge @!p0 [sflag:s0], s1  }
0xf8: {  	s1 =	ssub.s32 @!p0 $0x0, s1;
	[sflag:s0] =	ssyncset.done @!p0 $0x0  }
0xf9: {  	[sflag:s0] =	ssyncadd.s32 @!p0 s1  }
0xfa: {  	[bflag:$0x3] =	sbarrier.arrive $0xFFFF  }
0xfb: {  	_ =	shalt  }

</sc_bundles>
